<compile_context>
chip_gen: v7x
topology: tpu7x:2x2x1
jax: 0.10.2.dev20260603
libtpu: 0.0.44.dev20260713+nightly
codegen_flags: <defaults>
</compile_context>

<pallas_src>
import jax
import jax.numpy as jnp
from jax import lax
from jax.experimental import pallas as pl
from jax.experimental.pallas import tpu as pltpu
from jax.experimental.pallas import tpu_sc as plsc

R = 64
N = 4096
L = 16
NC = 2
NS = 16
NW = NC * NS
RPW = R // NW
UN = 4


def _splat(x):
    return jnp.full((L,), x, dtype=jnp.float32)


def _tau_vec(Z, E, U):
    num = jnp.maximum(Z - E, 0.0)
    den = jnp.maximum(1.0 - U, 1e-30)
    return _splat(num) / _splat(den)


def _sumslots(vs):
    acc = vs[0]
    for v in vs[1:]:
        acc = acc + v
    return jnp.sum(acc, axis=0)


def _sc_body(z_hbm, u_hbm, o_hbm, zv, uv, ev, ov, usem):
    wid = lax.axis_index("s") * NC + lax.axis_index("c")
    base = wid * RPW
    u_copy = pltpu.async_copy(u_hbm.at[pl.ds(base, RPW)], uv, usem)
    pltpu.sync_copy(z_hbm.at[pl.ds(base, RPW)], zv)

    zeros = jnp.zeros((L,), jnp.float32)
    zeros4 = (zeros,) * UN
    neg_inf_v = _splat(-jnp.inf)

    @plsc.parallel_loop(0, N, L * UN, unroll=2, carry=((neg_inf_v,) * UN,) * RPW)
    def p1(i, ms):
        out = []
        for r in range(RPW):
            out.append(tuple(
                jnp.maximum(ms[r][t], zv[r, pl.ds(i + t * L, L)])
                for t in range(UN)))
        return tuple(out)

    def _maxslots(vs):
        acc = vs[0]
        for v in vs[1:]:
            acc = jnp.maximum(acc, v)
        return jnp.max(acc, axis=0)

    Mv = [_splat(_maxslots(p1[r])) for r in range(RPW)]

    @plsc.parallel_loop(0, N, L * UN, unroll=2, carry=(zeros4,) * RPW)
    def p2(i, ss):
        out = []
        for r in range(RPW):
            acc = []
            for t in range(UN):
                sl = pl.ds(i + t * L, L)
                e = jnp.exp(zv[r, sl] - Mv[r])
                ev[r, sl] = e
                acc.append(ss[r][t] + e)
            out.append(tuple(acc))
        return tuple(out)

    Z = [_sumslots(p2[r]) for r in range(RPW)]
    tZ = [_splat(Z[r]) for r in range(RPW)]
    u_copy.wait()

    @plsc.parallel_loop(0, N, L * UN, unroll=2, carry=((zeros4, zeros4),) * RPW)
    def p3(i, accs):
        out = []
        for r in range(RPW):
            aE, aU = accs[r]
            nE, nU = [], []
            for t in range(UN):
                sl = pl.ds(i + t * L, L)
                e = ev[r, sl]
                u = uv[r, sl]
                sat = e > tZ[r] * u
                nE.append(aE[t] + jnp.where(sat, e, 0.0))
                nU.append(aU[t] + jnp.where(sat, u, 0.0))
            out.append((tuple(nE), tuple(nU)))
        return tuple(out)

    E1 = [_sumslots(p3[r][0]) for r in range(RPW)]
    U1 = [_sumslots(p3[r][1]) for r in range(RPW)]
    tau1 = [_tau_vec(Z[r], E1[r], U1[r]) for r in range(RPW)]
    inv1 = [_splat(1.0) / jnp.maximum(tau1[r], 1e-30) for r in range(RPW)]

    @plsc.parallel_loop(0, N, L * UN, unroll=2, carry=((zeros4, zeros4),) * RPW)
    def p4(i, accs):
        out = []
        for r in range(RPW):
            aE, aU = accs[r]
            nE, nU = [], []
            for t in range(UN):
                sl = pl.ds(i + t * L, L)
                e = ev[r, sl]
                u = uv[r, sl]
                sat = e > tau1[r] * u
                ov[r, sl] = jnp.minimum(u, e * inv1[r])
                nE.append(aE[t] + jnp.where(sat, e, 0.0))
                nU.append(aU[t] + jnp.where(sat, u, 0.0))
            out.append((tuple(nE), tuple(nU)))
        return tuple(out)

    for r in range(RPW):
        E2 = _sumslots(p4[r][0])
        U2 = _sumslots(p4[r][1])

        def fp_cond(state):
            E_new, U_new, E_old, U_old, k = state
            changed = jnp.logical_or(E_new != E_old, U_new != U_old)
            return jnp.logical_and(k < 64, changed)

        def fp_step(state, r=r):
            E_new, U_new, _, _, k = state
            tau = _tau_vec(Z[r], E_new, U_new)
            inv = _splat(1.0) / jnp.maximum(tau, 1e-30)

            def accum(i, accs, r=r, tau=tau, inv=inv):
                aE, aU = accs
                sl = pl.ds(i * L, L)
                e16, u16 = ev[r, sl], uv[r, sl]
                sat = e16 > tau * u16
                ov[r, sl] = jnp.minimum(u16, e16 * inv)
                return (aE + jnp.where(sat, e16, 0.0),
                        aU + jnp.where(sat, u16, 0.0))

            aE, aU = lax.fori_loop(0, N // L, accum, (zeros, zeros))
            return (jnp.sum(aE, axis=0), jnp.sum(aU, axis=0),
                    E_new, U_new, k + 1)

        lax.while_loop(fp_cond, fp_step,
                       (E2, U2, E1[r], U1[r], jnp.int32(0)))

    pltpu.sync_copy(ov, o_hbm.at[pl.ds(base, RPW)])


@jax.jit
def kernel(input1, input2):
    mesh = plsc.VectorSubcoreMesh(
        core_axis_name="c", subcore_axis_name="s",
        num_cores=NC, num_subcores=NS)
    return pl.kernel(
        _sc_body,
        out_type=jax.ShapeDtypeStruct((R, N), jnp.float32),
        mesh=mesh,
        compiler_params=pltpu.CompilerParams(needs_layout_passes=False),
        scratch_types=[
            pltpu.VMEM((RPW, N), jnp.float32),
            pltpu.VMEM((RPW, N), jnp.float32),
            pltpu.VMEM((RPW, N), jnp.float32),
            pltpu.VMEM((RPW, N), jnp.float32),
            pltpu.SemaphoreType.DMA,
        ],
    )(input1, input2)

# --- scband reference (transcript-rebuilt; emitter-appended) ---
"""Pipeline reference for scband-constrained-softmax-13907104105178 (READ-ONLY COPY).

The authoritative reference and input builder live on the scoring server;
editing this copy changes nothing except your own understanding.
"""

import jax, jax.numpy as jnp
import numpy as np


def setup_inputs(seed: int = 0) -> dict:
    key = jax.random.key(seed)
    k1, k2 = jax.random.split(key)
    input1 = jax.random.normal(k1, (64, 4096), dtype=jnp.float32)
    input2 = jax.random.uniform(k2, (64, 4096), dtype=jnp.float32)
    return {"input1": input1, "input2": input2}


def _constrained_softmax(z, u):
    # Vectorized, mathematically faithful version of the per-row sequential
    # algorithm: process elements in order of decreasing e_z/u; a prefix of
    # that order saturates at its cap u (this prefix property follows because
    # once e_z[i]/u[i] <= Z/(1-s) the threshold Z/(1-s) never changes again).
    mask = u > 0.0
    neg_inf = jnp.asarray(-jnp.inf, dtype=z.dtype)
    zmax = jnp.max(jnp.where(mask, z, neg_inf), axis=-1, keepdims=True)
    ez = jnp.where(mask, jnp.exp(z - zmax), 0.0)
    Z = jnp.sum(ez, axis=-1, keepdims=True)
    safe_u = jnp.where(mask, u, 1.0)
    ratio = jnp.where(mask, ez / safe_u, neg_inf)
    order = jnp.argsort(-ratio, axis=-1)
    ez_s = jnp.take_along_axis(ez, order, axis=-1)
    u_s = jnp.take_along_axis(u, order, axis=-1)
    mask_s = jnp.take_along_axis(mask, order, axis=-1)
    # exclusive prefix sums (state before processing element k)
    cumE = jnp.cumsum(ez_s, axis=-1) - ez_s
    cumU = jnp.cumsum(u_s, axis=-1) - u_s
    # saturate iff e_z[k] * (1 - s_{k-1}) / Z_{k-1} > u[k]
    cond = (ez_s * (1.0 - cumU) > u_s * (Z - cumE)) & mask_s
    sat = jnp.cumprod(cond.astype(jnp.float32), axis=-1) > 0.0
    S = jnp.sum(jnp.where(sat, u_s, 0.0), axis=-1, keepdims=True)
    Zr = Z - jnp.sum(jnp.where(sat, ez_s, 0.0), axis=-1, keepdims=True)
    Zr = jnp.where(Zr == 0.0, 1e-6, Zr)
    p_s = jnp.where(sat, u_s, jnp.where(mask_s, ez_s * (1.0 - S) / Zr, 0.0))
    inv = jnp.argsort(order, axis=-1)
    p = jnp.take_along_axis(p_s, inv, axis=-1)
    return p


def reference(input1, input2):
    return _constrained_softmax(input1, input2)

if __name__ == "__main__":
    import jax
    _d = setup_inputs()
    print(jax.jit(kernel)(*tuple(_d.values())))

</pallas_src>

<mosaic_0001>
#map = affine_map<(d0, d1) -> (0, 0)>
module attributes {stable_mosaic.version = 14 : i64} {
  func.func @_sc_body(%arg0: i32, %arg1: i32, %arg2: memref<64x4096xf32, #tpu.memory_space<hbm>>, %arg3: memref<64x4096xf32, #tpu.memory_space<hbm>>, %arg4: memref<64x4096xf32, #tpu.memory_space<hbm>>, %arg5: memref<2x4096xf32, #tpu.memory_space<vmem>>, %arg6: memref<2x4096xf32, #tpu.memory_space<vmem>>, %arg7: memref<2x4096xf32, #tpu.memory_space<vmem>>, %arg8: memref<2x4096xf32, #tpu.memory_space<vmem>>, %arg9: memref<!tpu.dma_semaphore, #tpu.memory_space<semaphore_mem>>) attributes {dimension_semantics = [#tpu.dimension_semantics<core_parallel>, #tpu.dimension_semantics<subcore_parallel>], iteration_bounds = array<i64: 2, 16>, scalar_prefetch = 0 : i64, scratch_operands = 5 : i64, tpu.core_type = #tpu.core_type<sc_vector_subcore>, window_params = [{transform_indices = #map}, {transform_indices = #map}, {transform_indices = #map}]} {
    %mul3A = arith.constant 2 : i32
    %mul3A_0 = arith.muli %arg1, %mul3A : i32
    %add3A = arith.addi %mul3A_0, %arg0 : i32
    %mul3A_1 = arith.constant 2 : i32
    %mul3A_2 = arith.muli %add3A, %mul3A_1 : i32
    %dma_start3A = arith.constant 0 : i32
    %dma_start3A_3 = tpu.memref_slice %arg3[%mul3A_2, %dma_start3A] : memref<64x4096xf32, #tpu.memory_space<hbm>> -> memref<2x4096xf32, #tpu.memory_space<hbm>>
    %dma_start3A_4 = arith.constant 0 : i32
    %dma_start3A_5 = tpu.memref_slice %arg3[%mul3A_2, %dma_start3A_4] : memref<64x4096xf32, #tpu.memory_space<hbm>> -> memref<2x4096xf32, #tpu.memory_space<hbm>>
    tpu.enqueue_dma source(%dma_start3A_5 : memref<2x4096xf32, #tpu.memory_space<hbm>>) target(%arg6 : memref<2x4096xf32, #tpu.memory_space<vmem>>) target_semaphore(%arg9 : memref<!tpu.dma_semaphore, #tpu.memory_space<semaphore_mem>>)
    "tpu.region"() ({
      %run_scoped3A = tpu.sem_alloc : memref<!tpu.dma_semaphore, #tpu.memory_space<semaphore_mem>>
      %dma_start3A_145 = arith.constant 0 : i32
      %dma_start3A_146 = tpu.memref_slice %arg2[%mul3A_2, %dma_start3A_145] : memref<64x4096xf32, #tpu.memory_space<hbm>> -> memref<2x4096xf32, #tpu.memory_space<hbm>>
      %dma_start3A_147 = arith.constant 0 : i32
      %dma_start3A_148 = tpu.memref_slice %arg2[%mul3A_2, %dma_start3A_147] : memref<64x4096xf32, #tpu.memory_space<hbm>> -> memref<2x4096xf32, #tpu.memory_space<hbm>>
      tpu.enqueue_dma source(%dma_start3A_148 : memref<2x4096xf32, #tpu.memory_space<hbm>>) target(%arg5 : memref<2x4096xf32, #tpu.memory_space<vmem>>) target_semaphore(%run_scoped3A : memref<!tpu.dma_semaphore, #tpu.memory_space<semaphore_mem>>)
      %dma_wait3A_149 = arith.constant 0 : i32
      %dma_wait3A_150 = tpu.memref_slice %arg2[%mul3A_2, %dma_wait3A_149] : memref<64x4096xf32, #tpu.memory_space<hbm>> -> memref<2x4096xf32, #tpu.memory_space<hbm>>
      %dma_wait3A_151 = arith.constant 0 : i32
      %dma_wait3A_152 = tpu.memref_slice %arg2[%mul3A_2, %dma_wait3A_151] : memref<64x4096xf32, #tpu.memory_space<hbm>> -> memref<2x4096xf32, #tpu.memory_space<hbm>>
      tpu.wait_dma2 semaphore(%run_scoped3A : memref<!tpu.dma_semaphore, #tpu.memory_space<semaphore_mem>>) src(%dma_wait3A_152 : memref<2x4096xf32, #tpu.memory_space<hbm>>) dst(%arg5 : memref<2x4096xf32, #tpu.memory_space<vmem>>)
      tpu.yield
    }) : () -> ()
    %broadcast_in_dim3A = arith.constant 0.000000e+00 : f32
    %broadcast_in_dim3A_6 = vector.broadcast %broadcast_in_dim3A : f32 to vector<16xf32>
    %broadcast_in_dim3A_7 = arith.constant 0xFF800000 : f32
    %broadcast_in_dim3A_8 = vector.broadcast %broadcast_in_dim3A_7 : f32 to vector<16xf32>
    %parallel_loop3A = arith.constant 0 : i32
    %parallel_loop3A_9 = arith.constant 4096 : i32
    %parallel_loop3A_10 = arith.constant 64 : i32
    %parallel_loop3A_11:8 = scf.for %parallel_loop3A_145 = %parallel_loop3A to %parallel_loop3A_9 step %parallel_loop3A_10 iter_args(%parallel_loop3A_146 = %broadcast_in_dim3A_8, %parallel_loop3A_147 = %broadcast_in_dim3A_8, %parallel_loop3A_148 = %broadcast_in_dim3A_8, %parallel_loop3A_149 = %broadcast_in_dim3A_8, %parallel_loop3A_150 = %broadcast_in_dim3A_8, %parallel_loop3A_151 = %broadcast_in_dim3A_8, %parallel_loop3A_152 = %broadcast_in_dim3A_8, %parallel_loop3A_153 = %broadcast_in_dim3A_8) -> (vector<16xf32>, vector<16xf32>, vector<16xf32>, vector<16xf32>, vector<16xf32>, vector<16xf32>, vector<16xf32>, vector<16xf32>)  : i32 {
      %parallel_loop3A_154 = arith.constant 0 : i32
      %parallel_loop3A_155 = arith.addi %parallel_loop3A_145, %parallel_loop3A_154 : i32
      %parallel_loop3A_156 = arith.constant 0 : i32
      %parallel_loop3A_157 = arith.index_cast %parallel_loop3A_156 : i32 to index
      %parallel_loop3A_158 = arith.index_cast %parallel_loop3A_155 : i32 to index
      %parallel_loop3A_159 = tpu.vector_load %arg5[%parallel_loop3A_157, %parallel_loop3A_158] {strides = array<i32>} : memref<2x4096xf32, #tpu.memory_space<vmem>>, vector<16xf32>,
      %parallel_loop3A_160 = arith.maximumf %parallel_loop3A_146, %parallel_loop3A_159 : vector<16xf32>
      %parallel_loop3A_161 = arith.constant 16 : i32
      %parallel_loop3A_162 = arith.addi %parallel_loop3A_145, %parallel_loop3A_161 : i32
      %parallel_loop3A_163 = arith.constant 0 : i32
      %parallel_loop3A_164 = arith.index_cast %parallel_loop3A_163 : i32 to index
      %parallel_loop3A_165 = arith.index_cast %parallel_loop3A_162 : i32 to index
      %parallel_loop3A_166 = tpu.vector_load %arg5[%parallel_loop3A_164, %parallel_loop3A_165] {strides = array<i32>} : memref<2x4096xf32, #tpu.memory_space<vmem>>, vector<16xf32>,
      %parallel_loop3A_167 = arith.maximumf %parallel_loop3A_147, %parallel_loop3A_166 : vector<16xf32>
      %parallel_loop3A_168 = arith.constant 32 : i32
      %parallel_loop3A_169 = arith.addi %parallel_loop3A_145, %parallel_loop3A_168 : i32
      %parallel_loop3A_170 = arith.constant 0 : i32
      %parallel_loop3A_171 = arith.index_cast %parallel_loop3A_170 : i32 to index
      %parallel_loop3A_172 = arith.index_cast %parallel_loop3A_169 : i32 to index
      %parallel_loop3A_173 = tpu.vector_load %arg5[%parallel_loop3A_171, %parallel_loop3A_172] {strides = array<i32>} : memref<2x4096xf32, #tpu.memory_space<vmem>>, vector<16xf32>,
      %parallel_loop3A_174 = arith.maximumf %parallel_loop3A_148, %parallel_loop3A_173 : vector<16xf32>
      %parallel_loop3A_175 = arith.constant 48 : i32
      %parallel_loop3A_176 = arith.addi %parallel_loop3A_145, %parallel_loop3A_175 : i32
      %parallel_loop3A_177 = arith.constant 0 : i32
      %parallel_loop3A_178 = arith.index_cast %parallel_loop3A_177 : i32 to index
      %parallel_loop3A_179 = arith.index_cast %parallel_loop3A_176 : i32 to index
      %parallel_loop3A_180 = tpu.vector_load %arg5[%parallel_loop3A_178, %parallel_loop3A_179] {strides = array<i32>} : memref<2x4096xf32, #tpu.memory_space<vmem>>, vector<16xf32>,
      %parallel_loop3A_181 = arith.maximumf %parallel_loop3A_149, %parallel_loop3A_180 : vector<16xf32>
      %parallel_loop3A_182 = arith.constant 0 : i32
      %parallel_loop3A_183 = arith.addi %parallel_loop3A_145, %parallel_loop3A_182 : i32
      %parallel_loop3A_184 = arith.constant 1 : i32
      %parallel_loop3A_185 = arith.index_cast %parallel_loop3A_184 : i32 to index
      %parallel_loop3A_186 = arith.index_cast %parallel_loop3A_183 : i32 to index
      %parallel_loop3A_187 = tpu.vector_load %arg5[%parallel_loop3A_185, %parallel_loop3A_186] {strides = array<i32>} : memref<2x4096xf32, #tpu.memory_space<vmem>>, vector<16xf32>,
      %parallel_loop3A_188 = arith.maximumf %parallel_loop3A_150, %parallel_loop3A_187 : vector<16xf32>
      %parallel_loop3A_189 = arith.constant 16 : i32
      %parallel_loop3A_190 = arith.addi %parallel_loop3A_145, %parallel_loop3A_189 : i32
      %parallel_loop3A_191 = arith.constant 1 : i32
      %parallel_loop3A_192 = arith.index_cast %parallel_loop3A_191 : i32 to index
      %parallel_loop3A_193 = arith.index_cast %parallel_loop3A_190 : i32 to index
      %parallel_loop3A_194 = tpu.vector_load %arg5[%parallel_loop3A_192, %parallel_loop3A_193] {strides = array<i32>} : memref<2x4096xf32, #tpu.memory_space<vmem>>, vector<16xf32>,
      %parallel_loop3A_195 = arith.maximumf %parallel_loop3A_151, %parallel_loop3A_194 : vector<16xf32>
      %parallel_loop3A_196 = arith.constant 32 : i32
      %parallel_loop3A_197 = arith.addi %parallel_loop3A_145, %parallel_loop3A_196 : i32
      %parallel_loop3A_198 = arith.constant 1 : i32
      %parallel_loop3A_199 = arith.index_cast %parallel_loop3A_198 : i32 to index
      %parallel_loop3A_200 = arith.index_cast %parallel_loop3A_197 : i32 to index
      %parallel_loop3A_201 = tpu.vector_load %arg5[%parallel_loop3A_199, %parallel_loop3A_200] {strides = array<i32>} : memref<2x4096xf32, #tpu.memory_space<vmem>>, vector<16xf32>,
      %parallel_loop3A_202 = arith.maximumf %parallel_loop3A_152, %parallel_loop3A_201 : vector<16xf32>
      %parallel_loop3A_203 = arith.constant 48 : i32
      %parallel_loop3A_204 = arith.addi %parallel_loop3A_145, %parallel_loop3A_203 : i32
      %parallel_loop3A_205 = arith.constant 1 : i32
      %parallel_loop3A_206 = arith.index_cast %parallel_loop3A_205 : i32 to index
      %parallel_loop3A_207 = arith.index_cast %parallel_loop3A_204 : i32 to index
      %parallel_loop3A_208 = tpu.vector_load %arg5[%parallel_loop3A_206, %parallel_loop3A_207] {strides = array<i32>} : memref<2x4096xf32, #tpu.memory_space<vmem>>, vector<16xf32>,
      %parallel_loop3A_209 = arith.maximumf %parallel_loop3A_153, %parallel_loop3A_208 : vector<16xf32>
      scf.yield %parallel_loop3A_160, %parallel_loop3A_167, %parallel_loop3A_174, %parallel_loop3A_181, %parallel_loop3A_188, %parallel_loop3A_195, %parallel_loop3A_202, %parallel_loop3A_209 : vector<16xf32>, vector<16xf32>, vector<16xf32>, vector<16xf32>, vector<16xf32>, vector<16xf32>, vector<16xf32>, vector<16xf32>
    } {sc.loop_unroll_factor = 2 : i64, sc.parallel_access}
    %max3A = arith.maximumf %parallel_loop3A_11#0, %parallel_loop3A_11#1 : vector<16xf32>
    %max3A_12 = arith.maximumf %max3A, %parallel_loop3A_11#2 : vector<16xf32>
    %max3A_13 = arith.maximumf %max3A_12, %parallel_loop3A_11#3 : vector<16xf32>
    %reduce_max3A = arith.constant true
    %reduce_max3A_14 = vector.broadcast %reduce_max3A : i1 to vector<16xi1>
    %reduce_max3A_15 = tpu.scan <max>, %max3A_13 masked %reduce_max3A_14 : vector<16xf32>, vector<16xi1> -> vector<16xf32>
    %reduce_max3A_16 = vector.extract %reduce_max3A_15[15] : f32 from vector<16xf32>
    %broadcast_in_dim3A_17 = vector.broadcast %reduce_max3A_16 : f32 to vector<16xf32>
    %max3A_18 = arith.maximumf %parallel_loop3A_11#4, %parallel_loop3A_11#5 : vector<16xf32>
    %max3A_19 = arith.maximumf %max3A_18, %parallel_loop3A_11#6 : vector<16xf32>
    %max3A_20 = arith.maximumf %max3A_19, %parallel_loop3A_11#7 : vector<16xf32>
    %reduce_max3A_21 = arith.constant true
    %reduce_max3A_22 = vector.broadcast %reduce_max3A_21 : i1 to vector<16xi1>
    %reduce_max3A_23 = tpu.scan <max>, %max3A_20 masked %reduce_max3A_22 : vector<16xf32>, vector<16xi1> -> vector<16xf32>
    %reduce_max3A_24 = vector.extract %reduce_max3A_23[15] : f32 from vector<16xf32>
    %broadcast_in_dim3A_25 = vector.broadcast %reduce_max3A_24 : f32 to vector<16xf32>
    %parallel_loop3A_26 = arith.constant 0 : i32
    %parallel_loop3A_27 = arith.constant 4096 : i32
    %parallel_loop3A_28 = arith.constant 64 : i32
    %parallel_loop3A_29:8 = scf.for %parallel_loop3A_145 = %parallel_loop3A_26 to %parallel_loop3A_27 step %parallel_loop3A_28 iter_args(%parallel_loop3A_146 = %broadcast_in_dim3A_6, %parallel_loop3A_147 = %broadcast_in_dim3A_6, %parallel_loop3A_148 = %broadcast_in_dim3A_6, %parallel_loop3A_149 = %broadcast_in_dim3A_6, %parallel_loop3A_150 = %broadcast_in_dim3A_6, %parallel_loop3A_151 = %broadcast_in_dim3A_6, %parallel_loop3A_152 = %broadcast_in_dim3A_6, %parallel_loop3A_153 = %broadcast_in_dim3A_6) -> (vector<16xf32>, vector<16xf32>, vector<16xf32>, vector<16xf32>, vector<16xf32>, vector<16xf32>, vector<16xf32>, vector<16xf32>)  : i32 {
      %parallel_loop3A_154 = arith.constant 0 : i32
      %parallel_loop3A_155 = arith.addi %parallel_loop3A_145, %parallel_loop3A_154 : i32
      %parallel_loop3A_156 = arith.constant 0 : i32
      %parallel_loop3A_157 = arith.index_cast %parallel_loop3A_156 : i32 to index
      %parallel_loop3A_158 = arith.index_cast %parallel_loop3A_155 : i32 to index
      %parallel_loop3A_159 = tpu.vector_load %arg5[%parallel_loop3A_157, %parallel_loop3A_158] {strides = array<i32>} : memref<2x4096xf32, #tpu.memory_space<vmem>>, vector<16xf32>,
      %parallel_loop3A_160 = arith.subf %parallel_loop3A_159, %broadcast_in_dim3A_17 : vector<16xf32>
      %parallel_loop3A_161 = math.exp %parallel_loop3A_160 : vector<16xf32>
      %parallel_loop3A_162 = arith.constant 0 : i32
      %parallel_loop3A_163 = arith.index_cast %parallel_loop3A_162 : i32 to index
      %parallel_loop3A_164 = arith.index_cast %parallel_loop3A_155 : i32 to index
      %parallel_loop3A_165 = tpu.vector_load %arg7[%parallel_loop3A_163, %parallel_loop3A_164] {strides = array<i32>} : memref<2x4096xf32, #tpu.memory_space<vmem>>, vector<16xf32>,
      tpu.vector_store %arg7[%parallel_loop3A_163, %parallel_loop3A_164], %parallel_loop3A_161 {strides = array<i32>} : memref<2x4096xf32, #tpu.memory_space<vmem>>, vector<16xf32>,
      %parallel_loop3A_166 = arith.addf %parallel_loop3A_146, %parallel_loop3A_161 : vector<16xf32>
      %parallel_loop3A_167 = arith.constant 16 : i32
      %parallel_loop3A_168 = arith.addi %parallel_loop3A_145, %parallel_loop3A_167 : i32
      %parallel_loop3A_169 = arith.constant 0 : i32
      %parallel_loop3A_170 = arith.index_cast %parallel_loop3A_169 : i32 to index
      %parallel_loop3A_171 = arith.index_cast %parallel_loop3A_168 : i32 to index
      %parallel_loop3A_172 = tpu.vector_load %arg5[%parallel_loop3A_170, %parallel_loop3A_171] {strides = array<i32>} : memref<2x4096xf32, #tpu.memory_space<vmem>>, vector<16xf32>,
      %parallel_loop3A_173 = arith.subf %parallel_loop3A_172, %broadcast_in_dim3A_17 : vector<16xf32>
      %parallel_loop3A_174 = math.exp %parallel_loop3A_173 : vector<16xf32>
      %parallel_loop3A_175 = arith.constant 0 : i32
      %parallel_loop3A_176 = arith.index_cast %parallel_loop3A_175 : i32 to index
      %parallel_loop3A_177 = arith.index_cast %parallel_loop3A_168 : i32 to index
      %parallel_loop3A_178 = tpu.vector_load %arg7[%parallel_loop3A_176, %parallel_loop3A_177] {strides = array<i32>} : memref<2x4096xf32, #tpu.memory_space<vmem>>, vector<16xf32>,
      tpu.vector_store %arg7[%parallel_loop3A_176, %parallel_loop3A_177], %parallel_loop3A_174 {strides = array<i32>} : memref<2x4096xf32, #tpu.memory_space<vmem>>, vector<16xf32>,
      %parallel_loop3A_179 = arith.addf %parallel_loop3A_147, %parallel_loop3A_174 : vector<16xf32>
      %parallel_loop3A_180 = arith.constant 32 : i32
      %parallel_loop3A_181 = arith.addi %parallel_loop3A_145, %parallel_loop3A_180 : i32
      %parallel_loop3A_182 = arith.constant 0 : i32
      %parallel_loop3A_183 = arith.index_cast %parallel_loop3A_182 : i32 to index
      %parallel_loop3A_184 = arith.index_cast %parallel_loop3A_181 : i32 to index
      %parallel_loop3A_185 = tpu.vector_load %arg5[%parallel_loop3A_183, %parallel_loop3A_184] {strides = array<i32>} : memref<2x4096xf32, #tpu.memory_space<vmem>>, vector<16xf32>,
      %parallel_loop3A_186 = arith.subf %parallel_loop3A_185, %broadcast_in_dim3A_17 : vector<16xf32>
      %parallel_loop3A_187 = math.exp %parallel_loop3A_186 : vector<16xf32>
      %parallel_loop3A_188 = arith.constant 0 : i32
      %parallel_loop3A_189 = arith.index_cast %parallel_loop3A_188 : i32 to index
      %parallel_loop3A_190 = arith.index_cast %parallel_loop3A_181 : i32 to index
      %parallel_loop3A_191 = tpu.vector_load %arg7[%parallel_loop3A_189, %parallel_loop3A_190] {strides = array<i32>} : memref<2x4096xf32, #tpu.memory_space<vmem>>, vector<16xf32>,
      tpu.vector_store %arg7[%parallel_loop3A_189, %parallel_loop3A_190], %parallel_loop3A_187 {strides = array<i32>} : memref<2x4096xf32, #tpu.memory_space<vmem>>, vector<16xf32>,
      %parallel_loop3A_192 = arith.addf %parallel_loop3A_148, %parallel_loop3A_187 : vector<16xf32>
      %parallel_loop3A_193 = arith.constant 48 : i32
      %parallel_loop3A_194 = arith.addi %parallel_loop3A_145, %parallel_loop3A_193 : i32
      %parallel_loop3A_195 = arith.constant 0 : i32
      %parallel_loop3A_196 = arith.index_cast %parallel_loop3A_195 : i32 to index
      %parallel_loop3A_197 = arith.index_cast %parallel_loop3A_194 : i32 to index
      %parallel_loop3A_198 = tpu.vector_load %arg5[%parallel_loop3A_196, %parallel_loop3A_197] {strides = array<i32>} : memref<2x4096xf32, #tpu.memory_space<vmem>>, vector<16xf32>,
      %parallel_loop3A_199 = arith.subf %parallel_loop3A_198, %broadcast_in_dim3A_17 : vector<16xf32>
      %parallel_loop3A_200 = math.exp %parallel_loop3A_199 : vector<16xf32>
      %parallel_loop3A_201 = arith.constant 0 : i32
      %parallel_loop3A_202 = arith.index_cast %parallel_loop3A_201 : i32 to index
      %parallel_loop3A_203 = arith.index_cast %parallel_loop3A_194 : i32 to index
      %parallel_loop3A_204 = tpu.vector_load %arg7[%parallel_loop3A_202, %parallel_loop3A_203] {strides = array<i32>} : memref<2x4096xf32, #tpu.memory_space<vmem>>, vector<16xf32>,
      tpu.vector_store %arg7[%parallel_loop3A_202, %parallel_loop3A_203], %parallel_loop3A_200 {strides = array<i32>} : memref<2x4096xf32, #tpu.memory_space<vmem>>, vector<16xf32>,
      %parallel_loop3A_205 = arith.addf %parallel_loop3A_149, %parallel_loop3A_200 : vector<16xf32>
      %parallel_loop3A_206 = arith.constant 0 : i32
      %parallel_loop3A_207 = arith.addi %parallel_loop3A_145, %parallel_loop3A_206 : i32
      %parallel_loop3A_208 = arith.constant 1 : i32
      %parallel_loop3A_209 = arith.index_cast %parallel_loop3A_208 : i32 to index
      %parallel_loop3A_210 = arith.index_cast %parallel_loop3A_207 : i32 to index
      %parallel_loop3A_211 = tpu.vector_load %arg5[%parallel_loop3A_209, %parallel_loop3A_210] {strides = array<i32>} : memref<2x4096xf32, #tpu.memory_space<vmem>>, vector<16xf32>,
      %parallel_loop3A_212 = arith.subf %parallel_loop3A_211, %broadcast_in_dim3A_25 : vector<16xf32>
      %parallel_loop3A_213 = math.exp %parallel_loop3A_212 : vector<16xf32>
      %parallel_loop3A_214 = arith.constant 1 : i32
      %parallel_loop3A_215 = arith.index_cast %parallel_loop3A_214 : i32 to index
      %parallel_loop3A_216 = arith.index_cast %parallel_loop3A_207 : i32 to index
      %parallel_loop3A_217 = tpu.vector_load %arg7[%parallel_loop3A_215, %parallel_loop3A_216] {strides = array<i32>} : memref<2x4096xf32, #tpu.memory_space<vmem>>, vector<16xf32>,
      tpu.vector_store %arg7[%parallel_loop3A_215, %parallel_loop3A_216], %parallel_loop3A_213 {strides = array<i32>} : memref<2x4096xf32, #tpu.memory_space<vmem>>, vector<16xf32>,
      %parallel_loop3A_218 = arith.addf %parallel_loop3A_150, %parallel_loop3A_213 : vector<16xf32>
      %parallel_loop3A_219 = arith.constant 16 : i32
      %parallel_loop3A_220 = arith.addi %parallel_loop3A_145, %parallel_loop3A_219 : i32
      %parallel_loop3A_221 = arith.constant 1 : i32
      %parallel_loop3A_222 = arith.index_cast %parallel_loop3A_221 : i32 to index
      %parallel_loop3A_223 = arith.index_cast %parallel_loop3A_220 : i32 to index
      %parallel_loop3A_224 = tpu.vector_load %arg5[%parallel_loop3A_222, %parallel_loop3A_223] {strides = array<i32>} : memref<2x4096xf32, #tpu.memory_space<vmem>>, vector<16xf32>,
      %parallel_loop3A_225 = arith.subf %parallel_loop3A_224, %broadcast_in_dim3A_25 : vector<16xf32>
      %parallel_loop3A_226 = math.exp %parallel_loop3A_225 : vector<16xf32>
      %parallel_loop3A_227 = arith.constant 1 : i32
      %parallel_loop3A_228 = arith.index_cast %parallel_loop3A_227 : i32 to index
      %parallel_loop3A_229 = arith.index_cast %parallel_loop3A_220 : i32 to index
      %parallel_loop3A_230 = tpu.vector_load %arg7[%parallel_loop3A_228, %parallel_loop3A_229] {strides = array<i32>} : memref<2x4096xf32, #tpu.memory_space<vmem>>, vector<16xf32>,
      tpu.vector_store %arg7[%parallel_loop3A_228, %parallel_loop3A_229], %parallel_loop3A_226 {strides = array<i32>} : memref<2x4096xf32, #tpu.memory_space<vmem>>, vector<16xf32>,
      %parallel_loop3A_231 = arith.addf %parallel_loop3A_151, %parallel_loop3A_226 : vector<16xf32>
      %parallel_loop3A_232 = arith.constant 32 : i32
      %parallel_loop3A_233 = arith.addi %parallel_loop3A_145, %parallel_loop3A_232 : i32
      %parallel_loop3A_234 = arith.constant 1 : i32
      %parallel_loop3A_235 = arith.index_cast %parallel_loop3A_234 : i32 to index
      %parallel_loop3A_236 = arith.index_cast %parallel_loop3A_233 : i32 to index
      %parallel_loop3A_237 = tpu.vector_load %arg5[%parallel_loop3A_235, %parallel_loop3A_236] {strides = array<i32>} : memref<2x4096xf32, #tpu.memory_space<vmem>>, vector<16xf32>,
      %parallel_loop3A_238 = arith.subf %parallel_loop3A_237, %broadcast_in_dim3A_25 : vector<16xf32>
      %parallel_loop3A_239 = math.exp %parallel_loop3A_238 : vector<16xf32>
      %parallel_loop3A_240 = arith.constant 1 : i32
      %parallel_loop3A_241 = arith.index_cast %parallel_loop3A_240 : i32 to index
      %parallel_loop3A_242 = arith.index_cast %parallel_loop3A_233 : i32 to index
      %parallel_loop3A_243 = tpu.vector_load %arg7[%parallel_loop3A_241, %parallel_loop3A_242] {strides = array<i32>} : memref<2x4096xf32, #tpu.memory_space<vmem>>, vector<16xf32>,
      tpu.vector_store %arg7[%parallel_loop3A_241, %parallel_loop3A_242], %parallel_loop3A_239 {strides = array<i32>} : memref<2x4096xf32, #tpu.memory_space<vmem>>, vector<16xf32>,
      %parallel_loop3A_244 = arith.addf %parallel_loop3A_152, %parallel_loop3A_239 : vector<16xf32>
      %parallel_loop3A_245 = arith.constant 48 : i32
      %parallel_loop3A_246 = arith.addi %parallel_loop3A_145, %parallel_loop3A_245 : i32
      %parallel_loop3A_247 = arith.constant 1 : i32
      %parallel_loop3A_248 = arith.index_cast %parallel_loop3A_247 : i32 to index
      %parallel_loop3A_249 = arith.index_cast %parallel_loop3A_246 : i32 to index
      %parallel_loop3A_250 = tpu.vector_load %arg5[%parallel_loop3A_248, %parallel_loop3A_249] {strides = array<i32>} : memref<2x4096xf32, #tpu.memory_space<vmem>>, vector<16xf32>,
      %parallel_loop3A_251 = arith.subf %parallel_loop3A_250, %broadcast_in_dim3A_25 : vector<16xf32>
      %parallel_loop3A_252 = math.exp %parallel_loop3A_251 : vector<16xf32>
      %parallel_loop3A_253 = arith.constant 1 : i32
      %parallel_loop3A_254 = arith.index_cast %parallel_loop3A_253 : i32 to index
      %parallel_loop3A_255 = arith.index_cast %parallel_loop3A_246 : i32 to index
      %parallel_loop3A_256 = tpu.vector_load %arg7[%parallel_loop3A_254, %parallel_loop3A_255] {strides = array<i32>} : memref<2x4096xf32, #tpu.memory_space<vmem>>, vector<16xf32>,
      tpu.vector_store %arg7[%parallel_loop3A_254, %parallel_loop3A_255], %parallel_loop3A_252 {strides = array<i32>} : memref<2x4096xf32, #tpu.memory_space<vmem>>, vector<16xf32>,
      %parallel_loop3A_257 = arith.addf %parallel_loop3A_153, %parallel_loop3A_252 : vector<16xf32>
      scf.yield %parallel_loop3A_166, %parallel_loop3A_179, %parallel_loop3A_192, %parallel_loop3A_205, %parallel_loop3A_218, %parallel_loop3A_231, %parallel_loop3A_244, %parallel_loop3A_257 : vector<16xf32>, vector<16xf32>, vector<16xf32>, vector<16xf32>, vector<16xf32>, vector<16xf32>, vector<16xf32>, vector<16xf32>
    } {sc.loop_unroll_factor = 2 : i64, sc.parallel_access}
    %add3A_30 = arith.addf %parallel_loop3A_29#0, %parallel_loop3A_29#1 : vector<16xf32>
    %add3A_31 = arith.addf %add3A_30, %parallel_loop3A_29#2 : vector<16xf32>
    %add3A_32 = arith.addf %add3A_31, %parallel_loop3A_29#3 : vector<16xf32>
    %reduce_sum3A = arith.constant true
    %reduce_sum3A_33 = vector.broadcast %reduce_sum3A : i1 to vector<16xi1>
    %reduce_sum3A_34 = tpu.scan <sum>, %add3A_32 masked %reduce_sum3A_33 : vector<16xf32>, vector<16xi1> -> vector<16xf32>
    %reduce_sum3A_35 = vector.extract %reduce_sum3A_34[15] : f32 from vector<16xf32>
    %add3A_36 = arith.addf %parallel_loop3A_29#4, %parallel_loop3A_29#5 : vector<16xf32>
    %add3A_37 = arith.addf %add3A_36, %parallel_loop3A_29#6 : vector<16xf32>
    %add3A_38 = arith.addf %add3A_37, %parallel_loop3A_29#7 : vector<16xf32>
    %reduce_sum3A_39 = arith.constant true
    %reduce_sum3A_40 = vector.broadcast %reduce_sum3A_39 : i1 to vector<16xi1>
    %reduce_sum3A_41 = tpu.scan <sum>, %add3A_38 masked %reduce_sum3A_40 : vector<16xf32>, vector<16xi1> -> vector<16xf32>
    %reduce_sum3A_42 = vector.extract %reduce_sum3A_41[15] : f32 from vector<16xf32>
    %broadcast_in_dim3A_43 = vector.broadcast %reduce_sum3A_35 : f32 to vector<16xf32>
    %broadcast_in_dim3A_44 = vector.broadcast %reduce_sum3A_42 : f32 to vector<16xf32>
    %dma_wait3A = arith.constant 0 : i32
    %dma_wait3A_45 = tpu.memref_slice %arg3[%mul3A_2, %dma_wait3A] : memref<64x4096xf32, #tpu.memory_space<hbm>> -> memref<2x4096xf32, #tpu.memory_space<hbm>>
    %dma_wait3A_46 = arith.constant 0 : i32
    %dma_wait3A_47 = tpu.memref_slice %arg3[%mul3A_2, %dma_wait3A_46] : memref<64x4096xf32, #tpu.memory_space<hbm>> -> memref<2x4096xf32, #tpu.memory_space<hbm>>
    tpu.wait_dma2 semaphore(%arg9 : memref<!tpu.dma_semaphore, #tpu.memory_space<semaphore_mem>>) src(%dma_wait3A_47 : memref<2x4096xf32, #tpu.memory_space<hbm>>) dst(%arg6 : memref<2x4096xf32, #tpu.memory_space<vmem>>)
    %parallel_loop3A_48 = arith.constant 0 : i32
    %parallel_loop3A_49 = arith.constant 4096 : i32
    %parallel_loop3A_50 = arith.constant 64 : i32
    %parallel_loop3A_51:16 = scf.for %parallel_loop3A_145 = %parallel_loop3A_48 to %parallel_loop3A_49 step %parallel_loop3A_50 iter_args(%parallel_loop3A_146 = %broadcast_in_dim3A_6, %parallel_loop3A_147 = %broadcast_in_dim3A_6, %parallel_loop3A_148 = %broadcast_in_dim3A_6, %parallel_loop3A_149 = %broadcast_in_dim3A_6, %parallel_loop3A_150 = %broadcast_in_dim3A_6, %parallel_loop3A_151 = %broadcast_in_dim3A_6, %parallel_loop3A_152 = %broadcast_in_dim3A_6, %parallel_loop3A_153 = %broadcast_in_dim3A_6, %parallel_loop3A_154 = %broadcast_in_dim3A_6, %parallel_loop3A_155 = %broadcast_in_dim3A_6, %parallel_loop3A_156 = %broadcast_in_dim3A_6, %parallel_loop3A_157 = %broadcast_in_dim3A_6, %parallel_loop3A_158 = %broadcast_in_dim3A_6, %parallel_loop3A_159 = %broadcast_in_dim3A_6, %parallel_loop3A_160 = %broadcast_in_dim3A_6, %parallel_loop3A_161 = %broadcast_in_dim3A_6) -> (vector<16xf32>, vector<16xf32>, vector<16xf32>, vector<16xf32>, vector<16xf32>, vector<16xf32>, vector<16xf32>, vector<16xf32>, vector<16xf32>, vector<16xf32>, vector<16xf32>, vector<16xf32>, vector<16xf32>, vector<16xf32>, vector<16xf32>, vector<16xf32>)  : i32 {
      %parallel_loop3A_162 = arith.constant 0 : i32
      %parallel_loop3A_163 = arith.addi %parallel_loop3A_145, %parallel_loop3A_162 : i32
      %parallel_loop3A_164 = arith.constant 0 : i32
      %parallel_loop3A_165 = arith.index_cast %parallel_loop3A_164 : i32 to index
      %parallel_loop3A_166 = arith.index_cast %parallel_loop3A_163 : i32 to index
      %parallel_loop3A_167 = tpu.vector_load %arg7[%parallel_loop3A_165, %parallel_loop3A_166] {strides = array<i32>} : memref<2x4096xf32, #tpu.memory_space<vmem>>, vector<16xf32>,
      %parallel_loop3A_168 = arith.constant 0 : i32
      %parallel_loop3A_169 = arith.index_cast %parallel_loop3A_168 : i32 to index
      %parallel_loop3A_170 = arith.index_cast %parallel_loop3A_163 : i32 to index
      %parallel_loop3A_171 = tpu.vector_load %arg6[%parallel_loop3A_169, %parallel_loop3A_170] {strides = array<i32>} : memref<2x4096xf32, #tpu.memory_space<vmem>>, vector<16xf32>,
      %parallel_loop3A_172 = arith.mulf %broadcast_in_dim3A_43, %parallel_loop3A_171 : vector<16xf32>
      %parallel_loop3A_173 = arith.cmpf ogt, %parallel_loop3A_167, %parallel_loop3A_172 : vector<16xf32>
      %parallel_loop3A_174 = arith.constant 0.000000e+00 : f32
      %parallel_loop3A_175 = vector.broadcast %parallel_loop3A_174 : f32 to vector<16xf32>
      %parallel_loop3A_176 = arith.select %parallel_loop3A_173, %parallel_loop3A_167, %parallel_loop3A_175 : vector<16xi1>, vector<16xf32>
      %parallel_loop3A_177 = arith.addf %parallel_loop3A_146, %parallel_loop3A_176 : vector<16xf32>
      %parallel_loop3A_178 = arith.constant 0.000000e+00 : f32
      %parallel_loop3A_179 = vector.broadcast %parallel_loop3A_178 : f32 to vector<16xf32>
      %parallel_loop3A_180 = arith.select %parallel_loop3A_173, %parallel_loop3A_171, %parallel_loop3A_179 : vector<16xi1>, vector<16xf32>
      %parallel_loop3A_181 = arith.addf %parallel_loop3A_150, %parallel_loop3A_180 : vector<16xf32>
      %parallel_loop3A_182 = arith.constant 16 : i32
      %parallel_loop3A_183 = arith.addi %parallel_loop3A_145, %parallel_loop3A_182 : i32
      %parallel_loop3A_184 = arith.constant 0 : i32
      %parallel_loop3A_185 = arith.index_cast %parallel_loop3A_184 : i32 to index
      %parallel_loop3A_186 = arith.index_cast %parallel_loop3A_183 : i32 to index
      %parallel_loop3A_187 = tpu.vector_load %arg7[%parallel_loop3A_185, %parallel_loop3A_186] {strides = array<i32>} : memref<2x4096xf32, #tpu.memory_space<vmem>>, vector<16xf32>,
      %parallel_loop3A_188 = arith.constant 0 : i32
      %parallel_loop3A_189 = arith.index_cast %parallel_loop3A_188 : i32 to index
      %parallel_loop3A_190 = arith.index_cast %parallel_loop3A_183 : i32 to index
      %parallel_loop3A_191 = tpu.vector_load %arg6[%parallel_loop3A_189, %parallel_loop3A_190] {strides = array<i32>} : memref<2x4096xf32, #tpu.memory_space<vmem>>, vector<16xf32>,
      %parallel_loop3A_192 = arith.mulf %broadcast_in_dim3A_43, %parallel_loop3A_191 : vector<16xf32>
      %parallel_loop3A_193 = arith.cmpf ogt, %parallel_loop3A_187, %parallel_loop3A_192 : vector<16xf32>
      %parallel_loop3A_194 = arith.constant 0.000000e+00 : f32
      %parallel_loop3A_195 = vector.broadcast %parallel_loop3A_194 : f32 to vector<16xf32>
      %parallel_loop3A_196 = arith.select %parallel_loop3A_193, %parallel_loop3A_187, %parallel_loop3A_195 : vector<16xi1>, vector<16xf32>
      %parallel_loop3A_197 = arith.addf %parallel_loop3A_147, %parallel_loop3A_196 : vector<16xf32>
      %parallel_loop3A_198 = arith.constant 0.000000e+00 : f32
      %parallel_loop3A_199 = vector.broadcast %parallel_loop3A_198 : f32 to vector<16xf32>
      %parallel_loop3A_200 = arith.select %parallel_loop3A_193, %parallel_loop3A_191, %parallel_loop3A_199 : vector<16xi1>, vector<16xf32>
      %parallel_loop3A_201 = arith.addf %parallel_loop3A_151, %parallel_loop3A_200 : vector<16xf32>
      %parallel_loop3A_202 = arith.constant 32 : i32
      %parallel_loop3A_203 = arith.addi %parallel_loop3A_145, %parallel_loop3A_202 : i32
      %parallel_loop3A_204 = arith.constant 0 : i32
      %parallel_loop3A_205 = arith.index_cast %parallel_loop3A_204 : i32 to index
      %parallel_loop3A_206 = arith.index_cast %parallel_loop3A_203 : i32 to index
      %parallel_loop3A_207 = tpu.vector_load %arg7[%parallel_loop3A_205, %parallel_loop3A_206] {strides = array<i32>} : memref<2x4096xf32, #tpu.memory_space<vmem>>, vector<16xf32>,
      %parallel_loop3A_208 = arith.constant 0 : i32
      %parallel_loop3A_209 = arith.index_cast %parallel_loop3A_208 : i32 to index
      %parallel_loop3A_210 = arith.index_cast %parallel_loop3A_203 : i32 to index
      %parallel_loop3A_211 = tpu.vector_load %arg6[%parallel_loop3A_209, %parallel_loop3A_210] {strides = array<i32>} : memref<2x4096xf32, #tpu.memory_space<vmem>>, vector<16xf32>,
      %parallel_loop3A_212 = arith.mulf %broadcast_in_dim3A_43, %parallel_loop3A_211 : vector<16xf32>
      %parallel_loop3A_213 = arith.cmpf ogt, %parallel_loop3A_207, %parallel_loop3A_212 : vector<16xf32>
      %parallel_loop3A_214 = arith.constant 0.000000e+00 : f32
      %parallel_loop3A_215 = vector.broadcast %parallel_loop3A_214 : f32 to vector<16xf32>
      %parallel_loop3A_216 = arith.select %parallel_loop3A_213, %parallel_loop3A_207, %parallel_loop3A_215 : vector<16xi1>, vector<16xf32>
      %parallel_loop3A_217 = arith.addf %parallel_loop3A_148, %parallel_loop3A_216 : vector<16xf32>
      %parallel_loop3A_218 = arith.constant 0.000000e+00 : f32
      %parallel_loop3A_219 = vector.broadcast %parallel_loop3A_218 : f32 to vector<16xf32>
      %parallel_loop3A_220 = arith.select %parallel_loop3A_213, %parallel_loop3A_211, %parallel_loop3A_219 : vector<16xi1>, vector<16xf32>
      %parallel_loop3A_221 = arith.addf %parallel_loop3A_152, %parallel_loop3A_220 : vector<16xf32>
      %parallel_loop3A_222 = arith.constant 48 : i32
      %parallel_loop3A_223 = arith.addi %parallel_loop3A_145, %parallel_loop3A_222 : i32
      %parallel_loop3A_224 = arith.constant 0 : i32
      %parallel_loop3A_225 = arith.index_cast %parallel_loop3A_224 : i32 to index
      %parallel_loop3A_226 = arith.index_cast %parallel_loop3A_223 : i32 to index
      %parallel_loop3A_227 = tpu.vector_load %arg7[%parallel_loop3A_225, %parallel_loop3A_226] {strides = array<i32>} : memref<2x4096xf32, #tpu.memory_space<vmem>>, vector<16xf32>,
      %parallel_loop3A_228 = arith.constant 0 : i32
      %parallel_loop3A_229 = arith.index_cast %parallel_loop3A_228 : i32 to index
      %parallel_loop3A_230 = arith.index_cast %parallel_loop3A_223 : i32 to index
      %parallel_loop3A_231 = tpu.vector_load %arg6[%parallel_loop3A_229, %parallel_loop3A_230] {strides = array<i32>} : memref<2x4096xf32, #tpu.memory_space<vmem>>, vector<16xf32>,
      %parallel_loop3A_232 = arith.mulf %broadcast_in_dim3A_43, %parallel_loop3A_231 : vector<16xf32>
      %parallel_loop3A_233 = arith.cmpf ogt, %parallel_loop3A_227, %parallel_loop3A_232 : vector<16xf32>
      %parallel_loop3A_234 = arith.constant 0.000000e+00 : f32
      %parallel_loop3A_235 = vector.broadcast %parallel_loop3A_234 : f32 to vector<16xf32>
      %parallel_loop3A_236 = arith.select %parallel_loop3A_233, %parallel_loop3A_227, %parallel_loop3A_235 : vector<16xi1>, vector<16xf32>
      %parallel_loop3A_237 = arith.addf %parallel_loop3A_149, %parallel_loop3A_236 : vector<16xf32>
      %parallel_loop3A_238 = arith.constant 0.000000e+00 : f32
      %parallel_loop3A_239 = vector.broadcast %parallel_loop3A_238 : f32 to vector<16xf32>
      %parallel_loop3A_240 = arith.select %parallel_loop3A_233, %parallel_loop3A_231, %parallel_loop3A_239 : vector<16xi1>, vector<16xf32>
      %parallel_loop3A_241 = arith.addf %parallel_loop3A_153, %parallel_loop3A_240 : vector<16xf32>
      %parallel_loop3A_242 = arith.constant 0 : i32
      %parallel_loop3A_243 = arith.addi %parallel_loop3A_145, %parallel_loop3A_242 : i32
      %parallel_loop3A_244 = arith.constant 1 : i32
      %parallel_loop3A_245 = arith.index_cast %parallel_loop3A_244 : i32 to index
      %parallel_loop3A_246 = arith.index_cast %parallel_loop3A_243 : i32 to index
      %parallel_loop3A_247 = tpu.vector_load %arg7[%parallel_loop3A_245, %parallel_loop3A_246] {strides = array<i32>} : memref<2x4096xf32, #tpu.memory_space<vmem>>, vector<16xf32>,
      %parallel_loop3A_248 = arith.constant 1 : i32
      %parallel_loop3A_249 = arith.index_cast %parallel_loop3A_248 : i32 to index
      %parallel_loop3A_250 = arith.index_cast %parallel_loop3A_243 : i32 to index
      %parallel_loop3A_251 = tpu.vector_load %arg6[%parallel_loop3A_249, %parallel_loop3A_250] {strides = array<i32>} : memref<2x4096xf32, #tpu.memory_space<vmem>>, vector<16xf32>,
      %parallel_loop3A_252 = arith.mulf %broadcast_in_dim3A_44, %parallel_loop3A_251 : vector<16xf32>
      %parallel_loop3A_253 = arith.cmpf ogt, %parallel_loop3A_247, %parallel_loop3A_252 : vector<16xf32>
      %parallel_loop3A_254 = arith.constant 0.000000e+00 : f32
      %parallel_loop3A_255 = vector.broadcast %parallel_loop3A_254 : f32 to vector<16xf32>
      %parallel_loop3A_256 = arith.select %parallel_loop3A_253, %parallel_loop3A_247, %parallel_loop3A_255 : vector<16xi1>, vector<16xf32>
      %parallel_loop3A_257 = arith.addf %parallel_loop3A_154, %parallel_loop3A_256 : vector<16xf32>
      %parallel_loop3A_258 = arith.constant 0.000000e+00 : f32
      %parallel_loop3A_259 = vector.broadcast %parallel_loop3A_258 : f32 to vector<16xf32>
      %parallel_loop3A_260 = arith.select %parallel_loop3A_253, %parallel_loop3A_251, %parallel_loop3A_259 : vector<16xi1>, vector<16xf32>
      %parallel_loop3A_261 = arith.addf %parallel_loop3A_158, %parallel_loop3A_260 : vector<16xf32>
      %parallel_loop3A_262 = arith.constant 16 : i32
      %parallel_loop3A_263 = arith.addi %parallel_loop3A_145, %parallel_loop3A_262 : i32
      %parallel_loop3A_264 = arith.constant 1 : i32
      %parallel_loop3A_265 = arith.index_cast %parallel_loop3A_264 : i32 to index
      %parallel_loop3A_266 = arith.index_cast %parallel_loop3A_263 : i32 to index
      %parallel_loop3A_267 = tpu.vector_load %arg7[%parallel_loop3A_265, %parallel_loop3A_266] {strides = array<i32>} : memref<2x4096xf32, #tpu.memory_space<vmem>>, vector<16xf32>,
      %parallel_loop3A_268 = arith.constant 1 : i32
      %parallel_loop3A_269 = arith.index_cast %parallel_loop3A_268 : i32 to index
      %parallel_loop3A_270 = arith.index_cast %parallel_loop3A_263 : i32 to index
      %parallel_loop3A_271 = tpu.vector_load %arg6[%parallel_loop3A_269, %parallel_loop3A_270] {strides = array<i32>} : memref<2x4096xf32, #tpu.memory_space<vmem>>, vector<16xf32>,
      %parallel_loop3A_272 = arith.mulf %broadcast_in_dim3A_44, %parallel_loop3A_271 : vector<16xf32>
      %parallel_loop3A_273 = arith.cmpf ogt, %parallel_loop3A_267, %parallel_loop3A_272 : vector<16xf32>
      %parallel_loop3A_274 = arith.constant 0.000000e+00 : f32
      %parallel_loop3A_275 = vector.broadcast %parallel_loop3A_274 : f32 to vector<16xf32>
      %parallel_loop3A_276 = arith.select %parallel_loop3A_273, %parallel_loop3A_267, %parallel_loop3A_275 : vector<16xi1>, vector<16xf32>
      %parallel_loop3A_277 = arith.addf %parallel_loop3A_155, %parallel_loop3A_276 : vector<16xf32>
      %parallel_loop3A_278 = arith.constant 0.000000e+00 : f32
      %parallel_loop3A_279 = vector.broadcast %parallel_loop3A_278 : f32 to vector<16xf32>
      %parallel_loop3A_280 = arith.select %parallel_loop3A_273, %parallel_loop3A_271, %parallel_loop3A_279 : vector<16xi1>, vector<16xf32>
      %parallel_loop3A_281 = arith.addf %parallel_loop3A_159, %parallel_loop3A_280 : vector<16xf32>
      %parallel_loop3A_282 = arith.constant 32 : i32
      %parallel_loop3A_283 = arith.addi %parallel_loop3A_145, %parallel_loop3A_282 : i32
      %parallel_loop3A_284 = arith.constant 1 : i32
      %parallel_loop3A_285 = arith.index_cast %parallel_loop3A_284 : i32 to index
      %parallel_loop3A_286 = arith.index_cast %parallel_loop3A_283 : i32 to index
      %parallel_loop3A_287 = tpu.vector_load %arg7[%parallel_loop3A_285, %parallel_loop3A_286] {strides = array<i32>} : memref<2x4096xf32, #tpu.memory_space<vmem>>, vector<16xf32>,
      %parallel_loop3A_288 = arith.constant 1 : i32
      %parallel_loop3A_289 = arith.index_cast %parallel_loop3A_288 : i32 to index
      %parallel_loop3A_290 = arith.index_cast %parallel_loop3A_283 : i32 to index
      %parallel_loop3A_291 = tpu.vector_load %arg6[%parallel_loop3A_289, %parallel_loop3A_290] {strides = array<i32>} : memref<2x4096xf32, #tpu.memory_space<vmem>>, vector<16xf32>,
      %parallel_loop3A_292 = arith.mulf %broadcast_in_dim3A_44, %parallel_loop3A_291 : vector<16xf32>
      %parallel_loop3A_293 = arith.cmpf ogt, %parallel_loop3A_287, %parallel_loop3A_292 : vector<16xf32>
      %parallel_loop3A_294 = arith.constant 0.000000e+00 : f32
      %parallel_loop3A_295 = vector.broadcast %parallel_loop3A_294 : f32 to vector<16xf32>
      %parallel_loop3A_296 = arith.select %parallel_loop3A_293, %parallel_loop3A_287, %parallel_loop3A_295 : vector<16xi1>, vector<16xf32>
      %parallel_loop3A_297 = arith.addf %parallel_loop3A_156, %parallel_loop3A_296 : vector<16xf32>
      %parallel_loop3A_298 = arith.constant 0.000000e+00 : f32
      %parallel_loop3A_299 = vector.broadcast %parallel_loop3A_298 : f32 to vector<16xf32>
      %parallel_loop3A_300 = arith.select %parallel_loop3A_293, %parallel_loop3A_291, %parallel_loop3A_299 : vector<16xi1>, vector<16xf32>
      %parallel_loop3A_301 = arith.addf %parallel_loop3A_160, %parallel_loop3A_300 : vector<16xf32>
      %parallel_loop3A_302 = arith.constant 48 : i32
      %parallel_loop3A_303 = arith.addi %parallel_loop3A_145, %parallel_loop3A_302 : i32
      %parallel_loop3A_304 = arith.constant 1 : i32
      %parallel_loop3A_305 = arith.index_cast %parallel_loop3A_304 : i32 to index
      %parallel_loop3A_306 = arith.index_cast %parallel_loop3A_303 : i32 to index
      %parallel_loop3A_307 = tpu.vector_load %arg7[%parallel_loop3A_305, %parallel_loop3A_306] {strides = array<i32>} : memref<2x4096xf32, #tpu.memory_space<vmem>>, vector<16xf32>,
      %parallel_loop3A_308 = arith.constant 1 : i32
      %parallel_loop3A_309 = arith.index_cast %parallel_loop3A_308 : i32 to index
      %parallel_loop3A_310 = arith.index_cast %parallel_loop3A_303 : i32 to index
      %parallel_loop3A_311 = tpu.vector_load %arg6[%parallel_loop3A_309, %parallel_loop3A_310] {strides = array<i32>} : memref<2x4096xf32, #tpu.memory_space<vmem>>, vector<16xf32>,
      %parallel_loop3A_312 = arith.mulf %broadcast_in_dim3A_44, %parallel_loop3A_311 : vector<16xf32>
      %parallel_loop3A_313 = arith.cmpf ogt, %parallel_loop3A_307, %parallel_loop3A_312 : vector<16xf32>
      %parallel_loop3A_314 = arith.constant 0.000000e+00 : f32
      %parallel_loop3A_315 = vector.broadcast %parallel_loop3A_314 : f32 to vector<16xf32>
      %parallel_loop3A_316 = arith.select %parallel_loop3A_313, %parallel_loop3A_307, %parallel_loop3A_315 : vector<16xi1>, vector<16xf32>
      %parallel_loop3A_317 = arith.addf %parallel_loop3A_157, %parallel_loop3A_316 : vector<16xf32>
      %parallel_loop3A_318 = arith.constant 0.000000e+00 : f32
      %parallel_loop3A_319 = vector.broadcast %parallel_loop3A_318 : f32 to vector<16xf32>
      %parallel_loop3A_320 = arith.select %parallel_loop3A_313, %parallel_loop3A_311, %parallel_loop3A_319 : vector<16xi1>, vector<16xf32>
      %parallel_loop3A_321 = arith.addf %parallel_loop3A_161, %parallel_loop3A_320 : vector<16xf32>
      scf.yield %parallel_loop3A_177, %parallel_loop3A_197, %parallel_loop3A_217, %parallel_loop3A_237, %parallel_loop3A_181, %parallel_loop3A_201, %parallel_loop3A_221, %parallel_loop3A_241, %parallel_loop3A_257, %parallel_loop3A_277, %parallel_loop3A_297, %parallel_loop3A_317, %parallel_loop3A_261, %parallel_loop3A_281, %parallel_loop3A_301, %parallel_loop3A_321 : vector<16xf32>, vector<16xf32>, vector<16xf32>, vector<16xf32>, vector<16xf32>, vector<16xf32>, vector<16xf32>, vector<16xf32>, vector<16xf32>, vector<16xf32>, vector<16xf32>, vector<16xf32>, vector<16xf32>, vector<16xf32>, vector<16xf32>, vector<16xf32>
    } {sc.loop_unroll_factor = 2 : i64, sc.parallel_access}
    %add3A_52 = arith.addf %parallel_loop3A_51#0, %parallel_loop3A_51#1 : vector<16xf32>
    %add3A_53 = arith.addf %add3A_52, %parallel_loop3A_51#2 : vector<16xf32>
    %add3A_54 = arith.addf %add3A_53, %parallel_loop3A_51#3 : vector<16xf32>
    %reduce_sum3A_55 = arith.constant true
    %reduce_sum3A_56 = vector.broadcast %reduce_sum3A_55 : i1 to vector<16xi1>
    %reduce_sum3A_57 = tpu.scan <sum>, %add3A_54 masked %reduce_sum3A_56 : vector<16xf32>, vector<16xi1> -> vector<16xf32>
    %reduce_sum3A_58 = vector.extract %reduce_sum3A_57[15] : f32 from vector<16xf32>
    %add3A_59 = arith.addf %parallel_loop3A_51#8, %parallel_loop3A_51#9 : vector<16xf32>
    %add3A_60 = arith.addf %add3A_59, %parallel_loop3A_51#10 : vector<16xf32>
    %add3A_61 = arith.addf %add3A_60, %parallel_loop3A_51#11 : vector<16xf32>
    %reduce_sum3A_62 = arith.constant true
    %reduce_sum3A_63 = vector.broadcast %reduce_sum3A_62 : i1 to vector<16xi1>
    %reduce_sum3A_64 = tpu.scan <sum>, %add3A_61 masked %reduce_sum3A_63 : vector<16xf32>, vector<16xi1> -> vector<16xf32>
    %reduce_sum3A_65 = vector.extract %reduce_sum3A_64[15] : f32 from vector<16xf32>
    %add3A_66 = arith.addf %parallel_loop3A_51#4, %parallel_loop3A_51#5 : vector<16xf32>
    %add3A_67 = arith.addf %add3A_66, %parallel_loop3A_51#6 : vector<16xf32>
    %add3A_68 = arith.addf %add3A_67, %parallel_loop3A_51#7 : vector<16xf32>
    %reduce_sum3A_69 = arith.constant true
    %reduce_sum3A_70 = vector.broadcast %reduce_sum3A_69 : i1 to vector<16xi1>
    %reduce_sum3A_71 = tpu.scan <sum>, %add3A_68 masked %reduce_sum3A_70 : vector<16xf32>, vector<16xi1> -> vector<16xf32>
    %reduce_sum3A_72 = vector.extract %reduce_sum3A_71[15] : f32 from vector<16xf32>
    %add3A_73 = arith.addf %parallel_loop3A_51#12, %parallel_loop3A_51#13 : vector<16xf32>
    %add3A_74 = arith.addf %add3A_73, %parallel_loop3A_51#14 : vector<16xf32>
    %add3A_75 = arith.addf %add3A_74, %parallel_loop3A_51#15 : vector<16xf32>
    %reduce_sum3A_76 = arith.constant true
    %reduce_sum3A_77 = vector.broadcast %reduce_sum3A_76 : i1 to vector<16xi1>
    %reduce_sum3A_78 = tpu.scan <sum>, %add3A_75 masked %reduce_sum3A_77 : vector<16xf32>, vector<16xi1> -> vector<16xf32>
    %reduce_sum3A_79 = vector.extract %reduce_sum3A_78[15] : f32 from vector<16xf32>
    %sub3A = arith.subf %reduce_sum3A_35, %reduce_sum3A_58 : f32
    %max3A_80 = arith.constant 0.000000e+00 : f32
    %max3A_81 = arith.maximumf %sub3A, %max3A_80 : f32
    %sub3A_82 = arith.constant 1.000000e+00 : f32
    %sub3A_83 = arith.subf %sub3A_82, %reduce_sum3A_72 : f32
    %max3A_84 = arith.constant 1.000000e-30 : f32
    %max3A_85 = arith.maximumf %sub3A_83, %max3A_84 : f32
    %broadcast_in_dim3A_86 = vector.broadcast %max3A_81 : f32 to vector<16xf32>
    %broadcast_in_dim3A_87 = vector.broadcast %max3A_85 : f32 to vector<16xf32>
    %div3A = arith.divf %broadcast_in_dim3A_86, %broadcast_in_dim3A_87 : vector<16xf32>
    %sub3A_88 = arith.subf %reduce_sum3A_42, %reduce_sum3A_65 : f32
    %max3A_89 = arith.constant 0.000000e+00 : f32
    %max3A_90 = arith.maximumf %sub3A_88, %max3A_89 : f32
    %sub3A_91 = arith.constant 1.000000e+00 : f32
    %sub3A_92 = arith.subf %sub3A_91, %reduce_sum3A_79 : f32
    %max3A_93 = arith.constant 1.000000e-30 : f32
    %max3A_94 = arith.maximumf %sub3A_92, %max3A_93 : f32
    %broadcast_in_dim3A_95 = vector.broadcast %max3A_90 : f32 to vector<16xf32>
    %broadcast_in_dim3A_96 = vector.broadcast %max3A_94 : f32 to vector<16xf32>
    %div3A_97 = arith.divf %broadcast_in_dim3A_95, %broadcast_in_dim3A_96 : vector<16xf32>
    %broadcast_in_dim3A_98 = arith.constant 1.000000e+00 : f32
    %broadcast_in_dim3A_99 = vector.broadcast %broadcast_in_dim3A_98 : f32 to vector<16xf32>
    %max3A_100 = arith.constant 1.000000e-30 : f32
    %max3A_101 = vector.broadcast %max3A_100 : f32 to vector<16xf32>
    %max3A_102 = arith.maximumf %div3A, %max3A_101 : vector<16xf32>
    %div3A_103 = arith.divf %broadcast_in_dim3A_99, %max3A_102 : vector<16xf32>
    %broadcast_in_dim3A_104 = arith.constant 1.000000e+00 : f32
    %broadcast_in_dim3A_105 = vector.broadcast %broadcast_in_dim3A_104 : f32 to vector<16xf32>
    %max3A_106 = arith.constant 1.000000e-30 : f32
    %max3A_107 = vector.broadcast %max3A_106 : f32 to vector<16xf32>
    %max3A_108 = arith.maximumf %div3A_97, %max3A_107 : vector<16xf32>
    %div3A_109 = arith.divf %broadcast_in_dim3A_105, %max3A_108 : vector<16xf32>
    %parallel_loop3A_110 = arith.constant 0 : i32
    %parallel_loop3A_111 = arith.constant 4096 : i32
    %parallel_loop3A_112 = arith.constant 64 : i32
    %parallel_loop3A_113:16 = scf.for %parallel_loop3A_145 = %parallel_loop3A_110 to %parallel_loop3A_111 step %parallel_loop3A_112 iter_args(%parallel_loop3A_146 = %broadcast_in_dim3A_6, %parallel_loop3A_147 = %broadcast_in_dim3A_6, %parallel_loop3A_148 = %broadcast_in_dim3A_6, %parallel_loop3A_149 = %broadcast_in_dim3A_6, %parallel_loop3A_150 = %broadcast_in_dim3A_6, %parallel_loop3A_151 = %broadcast_in_dim3A_6, %parallel_loop3A_152 = %broadcast_in_dim3A_6, %parallel_loop3A_153 = %broadcast_in_dim3A_6, %parallel_loop3A_154 = %broadcast_in_dim3A_6, %parallel_loop3A_155 = %broadcast_in_dim3A_6, %parallel_loop3A_156 = %broadcast_in_dim3A_6, %parallel_loop3A_157 = %broadcast_in_dim3A_6, %parallel_loop3A_158 = %broadcast_in_dim3A_6, %parallel_loop3A_159 = %broadcast_in_dim3A_6, %parallel_loop3A_160 = %broadcast_in_dim3A_6, %parallel_loop3A_161 = %broadcast_in_dim3A_6) -> (vector<16xf32>, vector<16xf32>, vector<16xf32>, vector<16xf32>, vector<16xf32>, vector<16xf32>, vector<16xf32>, vector<16xf32>, vector<16xf32>, vector<16xf32>, vector<16xf32>, vector<16xf32>, vector<16xf32>, vector<16xf32>, vector<16xf32>, vector<16xf32>)  : i32 {
      %parallel_loop3A_162 = arith.constant 0 : i32
      %parallel_loop3A_163 = arith.addi %parallel_loop3A_145, %parallel_loop3A_162 : i32
      %parallel_loop3A_164 = arith.constant 0 : i32
      %parallel_loop3A_165 = arith.index_cast %parallel_loop3A_164 : i32 to index
      %parallel_loop3A_166 = arith.index_cast %parallel_loop3A_163 : i32 to index
      %parallel_loop3A_167 = tpu.vector_load %arg7[%parallel_loop3A_165, %parallel_loop3A_166] {strides = array<i32>} : memref<2x4096xf32, #tpu.memory_space<vmem>>, vector<16xf32>,
      %parallel_loop3A_168 = arith.constant 0 : i32
      %parallel_loop3A_169 = arith.index_cast %parallel_loop3A_168 : i32 to index
      %parallel_loop3A_170 = arith.index_cast %parallel_loop3A_163 : i32 to index
      %parallel_loop3A_171 = tpu.vector_load %arg6[%parallel_loop3A_169, %parallel_loop3A_170] {strides = array<i32>} : memref<2x4096xf32, #tpu.memory_space<vmem>>, vector<16xf32>,
      %parallel_loop3A_172 = arith.mulf %div3A, %parallel_loop3A_171 : vector<16xf32>
      %parallel_loop3A_173 = arith.cmpf ogt, %parallel_loop3A_167, %parallel_loop3A_172 : vector<16xf32>
      %parallel_loop3A_174 = arith.mulf %parallel_loop3A_167, %div3A_103 : vector<16xf32>
      %parallel_loop3A_175 = arith.minimumf %parallel_loop3A_171, %parallel_loop3A_174 : vector<16xf32>
      %parallel_loop3A_176 = arith.constant 0 : i32
      %parallel_loop3A_177 = arith.index_cast %parallel_loop3A_176 : i32 to index
      %parallel_loop3A_178 = arith.index_cast %parallel_loop3A_163 : i32 to index
      %parallel_loop3A_179 = tpu.vector_load %arg8[%parallel_loop3A_177, %parallel_loop3A_178] {strides = array<i32>} : memref<2x4096xf32, #tpu.memory_space<vmem>>, vector<16xf32>,
      tpu.vector_store %arg8[%parallel_loop3A_177, %parallel_loop3A_178], %parallel_loop3A_175 {strides = array<i32>} : memref<2x4096xf32, #tpu.memory_space<vmem>>, vector<16xf32>,
      %parallel_loop3A_180 = arith.constant 0.000000e+00 : f32
      %parallel_loop3A_181 = vector.broadcast %parallel_loop3A_180 : f32 to vector<16xf32>
      %parallel_loop3A_182 = arith.select %parallel_loop3A_173, %parallel_loop3A_167, %parallel_loop3A_181 : vector<16xi1>, vector<16xf32>
      %parallel_loop3A_183 = arith.addf %parallel_loop3A_146, %parallel_loop3A_182 : vector<16xf32>
      %parallel_loop3A_184 = arith.constant 0.000000e+00 : f32
      %parallel_loop3A_185 = vector.broadcast %parallel_loop3A_184 : f32 to vector<16xf32>
      %parallel_loop3A_186 = arith.select %parallel_loop3A_173, %parallel_loop3A_171, %parallel_loop3A_185 : vector<16xi1>, vector<16xf32>
      %parallel_loop3A_187 = arith.addf %parallel_loop3A_150, %parallel_loop3A_186 : vector<16xf32>
      %parallel_loop3A_188 = arith.constant 16 : i32
      %parallel_loop3A_189 = arith.addi %parallel_loop3A_145, %parallel_loop3A_188 : i32
      %parallel_loop3A_190 = arith.constant 0 : i32
      %parallel_loop3A_191 = arith.index_cast %parallel_loop3A_190 : i32 to index
      %parallel_loop3A_192 = arith.index_cast %parallel_loop3A_189 : i32 to index
      %parallel_loop3A_193 = tpu.vector_load %arg7[%parallel_loop3A_191, %parallel_loop3A_192] {strides = array<i32>} : memref<2x4096xf32, #tpu.memory_space<vmem>>, vector<16xf32>,
      %parallel_loop3A_194 = arith.constant 0 : i32
      %parallel_loop3A_195 = arith.index_cast %parallel_loop3A_194 : i32 to index
      %parallel_loop3A_196 = arith.index_cast %parallel_loop3A_189 : i32 to index
      %parallel_loop3A_197 = tpu.vector_load %arg6[%parallel_loop3A_195, %parallel_loop3A_196] {strides = array<i32>} : memref<2x4096xf32, #tpu.memory_space<vmem>>, vector<16xf32>,
      %parallel_loop3A_198 = arith.mulf %div3A, %parallel_loop3A_197 : vector<16xf32>
      %parallel_loop3A_199 = arith.cmpf ogt, %parallel_loop3A_193, %parallel_loop3A_198 : vector<16xf32>
      %parallel_loop3A_200 = arith.mulf %parallel_loop3A_193, %div3A_103 : vector<16xf32>
      %parallel_loop3A_201 = arith.minimumf %parallel_loop3A_197, %parallel_loop3A_200 : vector<16xf32>
      %parallel_loop3A_202 = arith.constant 0 : i32
      %parallel_loop3A_203 = arith.index_cast %parallel_loop3A_202 : i32 to index
      %parallel_loop3A_204 = arith.index_cast %parallel_loop3A_189 : i32 to index
      %parallel_loop3A_205 = tpu.vector_load %arg8[%parallel_loop3A_203, %parallel_loop3A_204] {strides = array<i32>} : memref<2x4096xf32, #tpu.memory_space<vmem>>, vector<16xf32>,
      tpu.vector_store %arg8[%parallel_loop3A_203, %parallel_loop3A_204], %parallel_loop3A_201 {strides = array<i32>} : memref<2x4096xf32, #tpu.memory_space<vmem>>, vector<16xf32>,
      %parallel_loop3A_206 = arith.constant 0.000000e+00 : f32
      %parallel_loop3A_207 = vector.broadcast %parallel_loop3A_206 : f32 to vector<16xf32>
      %parallel_loop3A_208 = arith.select %parallel_loop3A_199, %parallel_loop3A_193, %parallel_loop3A_207 : vector<16xi1>, vector<16xf32>
      %parallel_loop3A_209 = arith.addf %parallel_loop3A_147, %parallel_loop3A_208 : vector<16xf32>
      %parallel_loop3A_210 = arith.constant 0.000000e+00 : f32
      %parallel_loop3A_211 = vector.broadcast %parallel_loop3A_210 : f32 to vector<16xf32>
      %parallel_loop3A_212 = arith.select %parallel_loop3A_199, %parallel_loop3A_197, %parallel_loop3A_211 : vector<16xi1>, vector<16xf32>
      %parallel_loop3A_213 = arith.addf %parallel_loop3A_151, %parallel_loop3A_212 : vector<16xf32>
      %parallel_loop3A_214 = arith.constant 32 : i32
      %parallel_loop3A_215 = arith.addi %parallel_loop3A_145, %parallel_loop3A_214 : i32
      %parallel_loop3A_216 = arith.constant 0 : i32
      %parallel_loop3A_217 = arith.index_cast %parallel_loop3A_216 : i32 to index
      %parallel_loop3A_218 = arith.index_cast %parallel_loop3A_215 : i32 to index
      %parallel_loop3A_219 = tpu.vector_load %arg7[%parallel_loop3A_217, %parallel_loop3A_218] {strides = array<i32>} : memref<2x4096xf32, #tpu.memory_space<vmem>>, vector<16xf32>,
      %parallel_loop3A_220 = arith.constant 0 : i32
      %parallel_loop3A_221 = arith.index_cast %parallel_loop3A_220 : i32 to index
      %parallel_loop3A_222 = arith.index_cast %parallel_loop3A_215 : i32 to index
      %parallel_loop3A_223 = tpu.vector_load %arg6[%parallel_loop3A_221, %parallel_loop3A_222] {strides = array<i32>} : memref<2x4096xf32, #tpu.memory_space<vmem>>, vector<16xf32>,
      %parallel_loop3A_224 = arith.mulf %div3A, %parallel_loop3A_223 : vector<16xf32>
      %parallel_loop3A_225 = arith.cmpf ogt, %parallel_loop3A_219, %parallel_loop3A_224 : vector<16xf32>
      %parallel_loop3A_226 = arith.mulf %parallel_loop3A_219, %div3A_103 : vector<16xf32>
      %parallel_loop3A_227 = arith.minimumf %parallel_loop3A_223, %parallel_loop3A_226 : vector<16xf32>
      %parallel_loop3A_228 = arith.constant 0 : i32
      %parallel_loop3A_229 = arith.index_cast %parallel_loop3A_228 : i32 to index
      %parallel_loop3A_230 = arith.index_cast %parallel_loop3A_215 : i32 to index
      %parallel_loop3A_231 = tpu.vector_load %arg8[%parallel_loop3A_229, %parallel_loop3A_230] {strides = array<i32>} : memref<2x4096xf32, #tpu.memory_space<vmem>>, vector<16xf32>,
      tpu.vector_store %arg8[%parallel_loop3A_229, %parallel_loop3A_230], %parallel_loop3A_227 {strides = array<i32>} : memref<2x4096xf32, #tpu.memory_space<vmem>>, vector<16xf32>,
      %parallel_loop3A_232 = arith.constant 0.000000e+00 : f32
      %parallel_loop3A_233 = vector.broadcast %parallel_loop3A_232 : f32 to vector<16xf32>
      %parallel_loop3A_234 = arith.select %parallel_loop3A_225, %parallel_loop3A_219, %parallel_loop3A_233 : vector<16xi1>, vector<16xf32>
      %parallel_loop3A_235 = arith.addf %parallel_loop3A_148, %parallel_loop3A_234 : vector<16xf32>
      %parallel_loop3A_236 = arith.constant 0.000000e+00 : f32
      %parallel_loop3A_237 = vector.broadcast %parallel_loop3A_236 : f32 to vector<16xf32>
      %parallel_loop3A_238 = arith.select %parallel_loop3A_225, %parallel_loop3A_223, %parallel_loop3A_237 : vector<16xi1>, vector<16xf32>
      %parallel_loop3A_239 = arith.addf %parallel_loop3A_152, %parallel_loop3A_238 : vector<16xf32>
      %parallel_loop3A_240 = arith.constant 48 : i32
      %parallel_loop3A_241 = arith.addi %parallel_loop3A_145, %parallel_loop3A_240 : i32
      %parallel_loop3A_242 = arith.constant 0 : i32
      %parallel_loop3A_243 = arith.index_cast %parallel_loop3A_242 : i32 to index
      %parallel_loop3A_244 = arith.index_cast %parallel_loop3A_241 : i32 to index
      %parallel_loop3A_245 = tpu.vector_load %arg7[%parallel_loop3A_243, %parallel_loop3A_244] {strides = array<i32>} : memref<2x4096xf32, #tpu.memory_space<vmem>>, vector<16xf32>,
      %parallel_loop3A_246 = arith.constant 0 : i32
      %parallel_loop3A_247 = arith.index_cast %parallel_loop3A_246 : i32 to index
      %parallel_loop3A_248 = arith.index_cast %parallel_loop3A_241 : i32 to index
      %parallel_loop3A_249 = tpu.vector_load %arg6[%parallel_loop3A_247, %parallel_loop3A_248] {strides = array<i32>} : memref<2x4096xf32, #tpu.memory_space<vmem>>, vector<16xf32>,
      %parallel_loop3A_250 = arith.mulf %div3A, %parallel_loop3A_249 : vector<16xf32>
      %parallel_loop3A_251 = arith.cmpf ogt, %parallel_loop3A_245, %parallel_loop3A_250 : vector<16xf32>
      %parallel_loop3A_252 = arith.mulf %parallel_loop3A_245, %div3A_103 : vector<16xf32>
      %parallel_loop3A_253 = arith.minimumf %parallel_loop3A_249, %parallel_loop3A_252 : vector<16xf32>
      %parallel_loop3A_254 = arith.constant 0 : i32
      %parallel_loop3A_255 = arith.index_cast %parallel_loop3A_254 : i32 to index
      %parallel_loop3A_256 = arith.index_cast %parallel_loop3A_241 : i32 to index
      %parallel_loop3A_257 = tpu.vector_load %arg8[%parallel_loop3A_255, %parallel_loop3A_256] {strides = array<i32>} : memref<2x4096xf32, #tpu.memory_space<vmem>>, vector<16xf32>,
      tpu.vector_store %arg8[%parallel_loop3A_255, %parallel_loop3A_256], %parallel_loop3A_253 {strides = array<i32>} : memref<2x4096xf32, #tpu.memory_space<vmem>>, vector<16xf32>,
      %parallel_loop3A_258 = arith.constant 0.000000e+00 : f32
      %parallel_loop3A_259 = vector.broadcast %parallel_loop3A_258 : f32 to vector<16xf32>
      %parallel_loop3A_260 = arith.select %parallel_loop3A_251, %parallel_loop3A_245, %parallel_loop3A_259 : vector<16xi1>, vector<16xf32>
      %parallel_loop3A_261 = arith.addf %parallel_loop3A_149, %parallel_loop3A_260 : vector<16xf32>
      %parallel_loop3A_262 = arith.constant 0.000000e+00 : f32
      %parallel_loop3A_263 = vector.broadcast %parallel_loop3A_262 : f32 to vector<16xf32>
      %parallel_loop3A_264 = arith.select %parallel_loop3A_251, %parallel_loop3A_249, %parallel_loop3A_263 : vector<16xi1>, vector<16xf32>
      %parallel_loop3A_265 = arith.addf %parallel_loop3A_153, %parallel_loop3A_264 : vector<16xf32>
      %parallel_loop3A_266 = arith.constant 0 : i32
      %parallel_loop3A_267 = arith.addi %parallel_loop3A_145, %parallel_loop3A_266 : i32
      %parallel_loop3A_268 = arith.constant 1 : i32
      %parallel_loop3A_269 = arith.index_cast %parallel_loop3A_268 : i32 to index
      %parallel_loop3A_270 = arith.index_cast %parallel_loop3A_267 : i32 to index
      %parallel_loop3A_271 = tpu.vector_load %arg7[%parallel_loop3A_269, %parallel_loop3A_270] {strides = array<i32>} : memref<2x4096xf32, #tpu.memory_space<vmem>>, vector<16xf32>,
      %parallel_loop3A_272 = arith.constant 1 : i32
      %parallel_loop3A_273 = arith.index_cast %parallel_loop3A_272 : i32 to index
      %parallel_loop3A_274 = arith.index_cast %parallel_loop3A_267 : i32 to index
      %parallel_loop3A_275 = tpu.vector_load %arg6[%parallel_loop3A_273, %parallel_loop3A_274] {strides = array<i32>} : memref<2x4096xf32, #tpu.memory_space<vmem>>, vector<16xf32>,
      %parallel_loop3A_276 = arith.mulf %div3A_97, %parallel_loop3A_275 : vector<16xf32>
      %parallel_loop3A_277 = arith.cmpf ogt, %parallel_loop3A_271, %parallel_loop3A_276 : vector<16xf32>
      %parallel_loop3A_278 = arith.mulf %parallel_loop3A_271, %div3A_109 : vector<16xf32>
      %parallel_loop3A_279 = arith.minimumf %parallel_loop3A_275, %parallel_loop3A_278 : vector<16xf32>
      %parallel_loop3A_280 = arith.constant 1 : i32
      %parallel_loop3A_281 = arith.index_cast %parallel_loop3A_280 : i32 to index
      %parallel_loop3A_282 = arith.index_cast %parallel_loop3A_267 : i32 to index
      %parallel_loop3A_283 = tpu.vector_load %arg8[%parallel_loop3A_281, %parallel_loop3A_282] {strides = array<i32>} : memref<2x4096xf32, #tpu.memory_space<vmem>>, vector<16xf32>,
      tpu.vector_store %arg8[%parallel_loop3A_281, %parallel_loop3A_282], %parallel_loop3A_279 {strides = array<i32>} : memref<2x4096xf32, #tpu.memory_space<vmem>>, vector<16xf32>,
      %parallel_loop3A_284 = arith.constant 0.000000e+00 : f32
      %parallel_loop3A_285 = vector.broadcast %parallel_loop3A_284 : f32 to vector<16xf32>
      %parallel_loop3A_286 = arith.select %parallel_loop3A_277, %parallel_loop3A_271, %parallel_loop3A_285 : vector<16xi1>, vector<16xf32>
      %parallel_loop3A_287 = arith.addf %parallel_loop3A_154, %parallel_loop3A_286 : vector<16xf32>
      %parallel_loop3A_288 = arith.constant 0.000000e+00 : f32
      %parallel_loop3A_289 = vector.broadcast %parallel_loop3A_288 : f32 to vector<16xf32>
      %parallel_loop3A_290 = arith.select %parallel_loop3A_277, %parallel_loop3A_275, %parallel_loop3A_289 : vector<16xi1>, vector<16xf32>
      %parallel_loop3A_291 = arith.addf %parallel_loop3A_158, %parallel_loop3A_290 : vector<16xf32>
      %parallel_loop3A_292 = arith.constant 16 : i32
      %parallel_loop3A_293 = arith.addi %parallel_loop3A_145, %parallel_loop3A_292 : i32
      %parallel_loop3A_294 = arith.constant 1 : i32
      %parallel_loop3A_295 = arith.index_cast %parallel_loop3A_294 : i32 to index
      %parallel_loop3A_296 = arith.index_cast %parallel_loop3A_293 : i32 to index
      %parallel_loop3A_297 = tpu.vector_load %arg7[%parallel_loop3A_295, %parallel_loop3A_296] {strides = array<i32>} : memref<2x4096xf32, #tpu.memory_space<vmem>>, vector<16xf32>,
      %parallel_loop3A_298 = arith.constant 1 : i32
      %parallel_loop3A_299 = arith.index_cast %parallel_loop3A_298 : i32 to index
      %parallel_loop3A_300 = arith.index_cast %parallel_loop3A_293 : i32 to index
      %parallel_loop3A_301 = tpu.vector_load %arg6[%parallel_loop3A_299, %parallel_loop3A_300] {strides = array<i32>} : memref<2x4096xf32, #tpu.memory_space<vmem>>, vector<16xf32>,
      %parallel_loop3A_302 = arith.mulf %div3A_97, %parallel_loop3A_301 : vector<16xf32>
      %parallel_loop3A_303 = arith.cmpf ogt, %parallel_loop3A_297, %parallel_loop3A_302 : vector<16xf32>
      %parallel_loop3A_304 = arith.mulf %parallel_loop3A_297, %div3A_109 : vector<16xf32>
      %parallel_loop3A_305 = arith.minimumf %parallel_loop3A_301, %parallel_loop3A_304 : vector<16xf32>
      %parallel_loop3A_306 = arith.constant 1 : i32
      %parallel_loop3A_307 = arith.index_cast %parallel_loop3A_306 : i32 to index
      %parallel_loop3A_308 = arith.index_cast %parallel_loop3A_293 : i32 to index
      %parallel_loop3A_309 = tpu.vector_load %arg8[%parallel_loop3A_307, %parallel_loop3A_308] {strides = array<i32>} : memref<2x4096xf32, #tpu.memory_space<vmem>>, vector<16xf32>,
      tpu.vector_store %arg8[%parallel_loop3A_307, %parallel_loop3A_308], %parallel_loop3A_305 {strides = array<i32>} : memref<2x4096xf32, #tpu.memory_space<vmem>>, vector<16xf32>,
      %parallel_loop3A_310 = arith.constant 0.000000e+00 : f32
      %parallel_loop3A_311 = vector.broadcast %parallel_loop3A_310 : f32 to vector<16xf32>
      %parallel_loop3A_312 = arith.select %parallel_loop3A_303, %parallel_loop3A_297, %parallel_loop3A_311 : vector<16xi1>, vector<16xf32>
      %parallel_loop3A_313 = arith.addf %parallel_loop3A_155, %parallel_loop3A_312 : vector<16xf32>
      %parallel_loop3A_314 = arith.constant 0.000000e+00 : f32
      %parallel_loop3A_315 = vector.broadcast %parallel_loop3A_314 : f32 to vector<16xf32>
      %parallel_loop3A_316 = arith.select %parallel_loop3A_303, %parallel_loop3A_301, %parallel_loop3A_315 : vector<16xi1>, vector<16xf32>
      %parallel_loop3A_317 = arith.addf %parallel_loop3A_159, %parallel_loop3A_316 : vector<16xf32>
      %parallel_loop3A_318 = arith.constant 32 : i32
      %parallel_loop3A_319 = arith.addi %parallel_loop3A_145, %parallel_loop3A_318 : i32
      %parallel_loop3A_320 = arith.constant 1 : i32
      %parallel_loop3A_321 = arith.index_cast %parallel_loop3A_320 : i32 to index
      %parallel_loop3A_322 = arith.index_cast %parallel_loop3A_319 : i32 to index
      %parallel_loop3A_323 = tpu.vector_load %arg7[%parallel_loop3A_321, %parallel_loop3A_322] {strides = array<i32>} : memref<2x4096xf32, #tpu.memory_space<vmem>>, vector<16xf32>,
      %parallel_loop3A_324 = arith.constant 1 : i32
      %parallel_loop3A_325 = arith.index_cast %parallel_loop3A_324 : i32 to index
      %parallel_loop3A_326 = arith.index_cast %parallel_loop3A_319 : i32 to index
      %parallel_loop3A_327 = tpu.vector_load %arg6[%parallel_loop3A_325, %parallel_loop3A_326] {strides = array<i32>} : memref<2x4096xf32, #tpu.memory_space<vmem>>, vector<16xf32>,
      %parallel_loop3A_328 = arith.mulf %div3A_97, %parallel_loop3A_327 : vector<16xf32>
      %parallel_loop3A_329 = arith.cmpf ogt, %parallel_loop3A_323, %parallel_loop3A_328 : vector<16xf32>
      %parallel_loop3A_330 = arith.mulf %parallel_loop3A_323, %div3A_109 : vector<16xf32>
      %parallel_loop3A_331 = arith.minimumf %parallel_loop3A_327, %parallel_loop3A_330 : vector<16xf32>
      %parallel_loop3A_332 = arith.constant 1 : i32
      %parallel_loop3A_333 = arith.index_cast %parallel_loop3A_332 : i32 to index
      %parallel_loop3A_334 = arith.index_cast %parallel_loop3A_319 : i32 to index
      %parallel_loop3A_335 = tpu.vector_load %arg8[%parallel_loop3A_333, %parallel_loop3A_334] {strides = array<i32>} : memref<2x4096xf32, #tpu.memory_space<vmem>>, vector<16xf32>,
      tpu.vector_store %arg8[%parallel_loop3A_333, %parallel_loop3A_334], %parallel_loop3A_331 {strides = array<i32>} : memref<2x4096xf32, #tpu.memory_space<vmem>>, vector<16xf32>,
      %parallel_loop3A_336 = arith.constant 0.000000e+00 : f32
      %parallel_loop3A_337 = vector.broadcast %parallel_loop3A_336 : f32 to vector<16xf32>
      %parallel_loop3A_338 = arith.select %parallel_loop3A_329, %parallel_loop3A_323, %parallel_loop3A_337 : vector<16xi1>, vector<16xf32>
      %parallel_loop3A_339 = arith.addf %parallel_loop3A_156, %parallel_loop3A_338 : vector<16xf32>
      %parallel_loop3A_340 = arith.constant 0.000000e+00 : f32
      %parallel_loop3A_341 = vector.broadcast %parallel_loop3A_340 : f32 to vector<16xf32>
      %parallel_loop3A_342 = arith.select %parallel_loop3A_329, %parallel_loop3A_327, %parallel_loop3A_341 : vector<16xi1>, vector<16xf32>
      %parallel_loop3A_343 = arith.addf %parallel_loop3A_160, %parallel_loop3A_342 : vector<16xf32>
      %parallel_loop3A_344 = arith.constant 48 : i32
      %parallel_loop3A_345 = arith.addi %parallel_loop3A_145, %parallel_loop3A_344 : i32
      %parallel_loop3A_346 = arith.constant 1 : i32
      %parallel_loop3A_347 = arith.index_cast %parallel_loop3A_346 : i32 to index
      %parallel_loop3A_348 = arith.index_cast %parallel_loop3A_345 : i32 to index
      %parallel_loop3A_349 = tpu.vector_load %arg7[%parallel_loop3A_347, %parallel_loop3A_348] {strides = array<i32>} : memref<2x4096xf32, #tpu.memory_space<vmem>>, vector<16xf32>,
      %parallel_loop3A_350 = arith.constant 1 : i32
      %parallel_loop3A_351 = arith.index_cast %parallel_loop3A_350 : i32 to index
      %parallel_loop3A_352 = arith.index_cast %parallel_loop3A_345 : i32 to index
      %parallel_loop3A_353 = tpu.vector_load %arg6[%parallel_loop3A_351, %parallel_loop3A_352] {strides = array<i32>} : memref<2x4096xf32, #tpu.memory_space<vmem>>, vector<16xf32>,
      %parallel_loop3A_354 = arith.mulf %div3A_97, %parallel_loop3A_353 : vector<16xf32>
      %parallel_loop3A_355 = arith.cmpf ogt, %parallel_loop3A_349, %parallel_loop3A_354 : vector<16xf32>
      %parallel_loop3A_356 = arith.mulf %parallel_loop3A_349, %div3A_109 : vector<16xf32>
      %parallel_loop3A_357 = arith.minimumf %parallel_loop3A_353, %parallel_loop3A_356 : vector<16xf32>
      %parallel_loop3A_358 = arith.constant 1 : i32
      %parallel_loop3A_359 = arith.index_cast %parallel_loop3A_358 : i32 to index
      %parallel_loop3A_360 = arith.index_cast %parallel_loop3A_345 : i32 to index
      %parallel_loop3A_361 = tpu.vector_load %arg8[%parallel_loop3A_359, %parallel_loop3A_360] {strides = array<i32>} : memref<2x4096xf32, #tpu.memory_space<vmem>>, vector<16xf32>,
      tpu.vector_store %arg8[%parallel_loop3A_359, %parallel_loop3A_360], %parallel_loop3A_357 {strides = array<i32>} : memref<2x4096xf32, #tpu.memory_space<vmem>>, vector<16xf32>,
      %parallel_loop3A_362 = arith.constant 0.000000e+00 : f32
      %parallel_loop3A_363 = vector.broadcast %parallel_loop3A_362 : f32 to vector<16xf32>
      %parallel_loop3A_364 = arith.select %parallel_loop3A_355, %parallel_loop3A_349, %parallel_loop3A_363 : vector<16xi1>, vector<16xf32>
      %parallel_loop3A_365 = arith.addf %parallel_loop3A_157, %parallel_loop3A_364 : vector<16xf32>
      %parallel_loop3A_366 = arith.constant 0.000000e+00 : f32
      %parallel_loop3A_367 = vector.broadcast %parallel_loop3A_366 : f32 to vector<16xf32>
      %parallel_loop3A_368 = arith.select %parallel_loop3A_355, %parallel_loop3A_353, %parallel_loop3A_367 : vector<16xi1>, vector<16xf32>
      %parallel_loop3A_369 = arith.addf %parallel_loop3A_161, %parallel_loop3A_368 : vector<16xf32>
      scf.yield %parallel_loop3A_183, %parallel_loop3A_209, %parallel_loop3A_235, %parallel_loop3A_261, %parallel_loop3A_187, %parallel_loop3A_213, %parallel_loop3A_239, %parallel_loop3A_265, %parallel_loop3A_287, %parallel_loop3A_313, %parallel_loop3A_339, %parallel_loop3A_365, %parallel_loop3A_291, %parallel_loop3A_317, %parallel_loop3A_343, %parallel_loop3A_369 : vector<16xf32>, vector<16xf32>, vector<16xf32>, vector<16xf32>, vector<16xf32>, vector<16xf32>, vector<16xf32>, vector<16xf32>, vector<16xf32>, vector<16xf32>, vector<16xf32>, vector<16xf32>, vector<16xf32>, vector<16xf32>, vector<16xf32>, vector<16xf32>
    } {sc.loop_unroll_factor = 2 : i64, sc.parallel_access}
    %add3A_114 = arith.addf %parallel_loop3A_113#0, %parallel_loop3A_113#1 : vector<16xf32>
    %add3A_115 = arith.addf %add3A_114, %parallel_loop3A_113#2 : vector<16xf32>
    %add3A_116 = arith.addf %add3A_115, %parallel_loop3A_113#3 : vector<16xf32>
    %reduce_sum3A_117 = arith.constant true
    %reduce_sum3A_118 = vector.broadcast %reduce_sum3A_117 : i1 to vector<16xi1>
    %reduce_sum3A_119 = tpu.scan <sum>, %add3A_116 masked %reduce_sum3A_118 : vector<16xf32>, vector<16xi1> -> vector<16xf32>
    %reduce_sum3A_120 = vector.extract %reduce_sum3A_119[15] : f32 from vector<16xf32>
    %add3A_121 = arith.addf %parallel_loop3A_113#4, %parallel_loop3A_113#5 : vector<16xf32>
    %add3A_122 = arith.addf %add3A_121, %parallel_loop3A_113#6 : vector<16xf32>
    %add3A_123 = arith.addf %add3A_122, %parallel_loop3A_113#7 : vector<16xf32>
    %reduce_sum3A_124 = arith.constant true
    %reduce_sum3A_125 = vector.broadcast %reduce_sum3A_124 : i1 to vector<16xi1>
    %reduce_sum3A_126 = tpu.scan <sum>, %add3A_123 masked %reduce_sum3A_125 : vector<16xf32>, vector<16xi1> -> vector<16xf32>
    %reduce_sum3A_127 = vector.extract %reduce_sum3A_126[15] : f32 from vector<16xf32>
    %while3A = arith.constant 0 : i32
    %while3A_128:5 = scf.while (%while3A_145 = %reduce_sum3A_120, %while3A_146 = %reduce_sum3A_127, %while3A_147 = %reduce_sum3A_58, %while3A_148 = %reduce_sum3A_72, %while3A_149 = %while3A) : (f32, f32, f32, f32, i32) -> (f32, f32, f32, f32, i32) {
      %ne3A = arith.cmpf one, %while3A_145, %while3A_147 : f32
      %ne3A_150 = arith.cmpf one, %while3A_146, %while3A_148 : f32
      %or3A = arith.ori %ne3A, %ne3A_150 : i1
      %lt3A = arith.constant 64 : i32
      %lt3A_151 = arith.cmpi slt, %while3A_149, %lt3A : i32
      %and3A = arith.andi %lt3A_151, %or3A : i1
      scf.condition(%and3A) %while3A_145, %while3A_146, %while3A_147, %while3A_148, %while3A_149 : f32, f32, f32, f32, i32
    } do {
    ^bb0(%while3A_145: f32, %while3A_146: f32, %while3A_147: f32, %while3A_148: f32, %while3A_149: i32):
      %sub3A_150 = arith.subf %reduce_sum3A_35, %while3A_145 : f32
      %max3A_151 = arith.constant 0.000000e+00 : f32
      %max3A_152 = arith.maximumf %sub3A_150, %max3A_151 : f32
      %sub3A_153 = arith.constant 1.000000e+00 : f32
      %sub3A_154 = arith.subf %sub3A_153, %while3A_146 : f32
      %max3A_155 = arith.constant 1.000000e-30 : f32
      %max3A_156 = arith.maximumf %sub3A_154, %max3A_155 : f32
      %broadcast_in_dim3A_157 = vector.broadcast %max3A_152 : f32 to vector<16xf32>
      %broadcast_in_dim3A_158 = vector.broadcast %max3A_156 : f32 to vector<16xf32>
      %div3A_159 = arith.divf %broadcast_in_dim3A_157, %broadcast_in_dim3A_158 : vector<16xf32>
      %broadcast_in_dim3A_160 = arith.constant 1.000000e+00 : f32
      %broadcast_in_dim3A_161 = vector.broadcast %broadcast_in_dim3A_160 : f32 to vector<16xf32>
      %max3A_162 = arith.constant 1.000000e-30 : f32
      %max3A_163 = vector.broadcast %max3A_162 : f32 to vector<16xf32>
      %max3A_164 = arith.maximumf %div3A_159, %max3A_163 : vector<16xf32>
      %div3A_165 = arith.divf %broadcast_in_dim3A_161, %max3A_164 : vector<16xf32>
      %scan3A = arith.constant 0 : i32
      %scan3A_166 = arith.constant 256 : i32
      %scan3A_167 = arith.addi %scan3A, %scan3A_166 : i32
      %scan3A_168 = arith.constant 1 : i32
      %scan3A_169:2 = scf.for %scan3A_181 = %scan3A to %scan3A_167 step %scan3A_168 iter_args(%scan3A_182 = %broadcast_in_dim3A_6, %scan3A_183 = %broadcast_in_dim3A_6) -> (vector<16xf32>, vector<16xf32>)  : i32 {
        %mul3A_184 = arith.constant 16 : i32
        %mul3A_185 = arith.muli %scan3A_181, %mul3A_184 : i32
        %get3A = arith.constant 0 : i32
        %get3A_186 = arith.index_cast %get3A : i32 to index
        %get3A_187 = arith.index_cast %mul3A_185 : i32 to index
        %get3A_188 = tpu.vector_load %arg7[%get3A_186, %get3A_187] {strides = array<i32>} : memref<2x4096xf32, #tpu.memory_space<vmem>>, vector<16xf32>,
        %get3A_189 = arith.constant 0 : i32
        %get3A_190 = arith.index_cast %get3A_189 : i32 to index
        %get3A_191 = arith.index_cast %mul3A_185 : i32 to index
        %get3A_192 = tpu.vector_load %arg6[%get3A_190, %get3A_191] {strides = array<i32>} : memref<2x4096xf32, #tpu.memory_space<vmem>>, vector<16xf32>,
        %mul3A_193 = arith.mulf %div3A_159, %get3A_192 : vector<16xf32>
        %gt3A = arith.cmpf ogt, %get3A_188, %mul3A_193 : vector<16xf32>
        %mul3A_194 = arith.mulf %get3A_188, %div3A_165 : vector<16xf32>
        %min3A = arith.minimumf %get3A_192, %mul3A_194 : vector<16xf32>
        %swap3A = arith.constant 0 : i32
        %swap3A_195 = arith.index_cast %swap3A : i32 to index
        %swap3A_196 = arith.index_cast %mul3A_185 : i32 to index
        %swap3A_197 = tpu.vector_load %arg8[%swap3A_195, %swap3A_196] {strides = array<i32>} : memref<2x4096xf32, #tpu.memory_space<vmem>>, vector<16xf32>,
        tpu.vector_store %arg8[%swap3A_195, %swap3A_196], %min3A {strides = array<i32>} : memref<2x4096xf32, #tpu.memory_space<vmem>>, vector<16xf32>,
        %jit3A = arith.constant 0.000000e+00 : f32
        %broadcast_in_dim3A_198 = vector.broadcast %jit3A : f32 to vector<16xf32>
        %select_n3A = arith.select %gt3A, %get3A_188, %broadcast_in_dim3A_198 : vector<16xi1>, vector<16xf32>
        %add3A_199 = arith.addf %scan3A_182, %select_n3A : vector<16xf32>
        %jit3A_200 = arith.constant 0.000000e+00 : f32
        %broadcast_in_dim3A_201 = vector.broadcast %jit3A_200 : f32 to vector<16xf32>
        %select_n3A_202 = arith.select %gt3A, %get3A_192, %broadcast_in_dim3A_201 : vector<16xi1>, vector<16xf32>
        %add3A_203 = arith.addf %scan3A_183, %select_n3A_202 : vector<16xf32>
        scf.yield %add3A_199, %add3A_203 : vector<16xf32>, vector<16xf32>
      }
      %scan3A_170 = arith.constant 256 : i32
      %reduce_sum3A_171 = arith.constant true
      %reduce_sum3A_172 = vector.broadcast %reduce_sum3A_171 : i1 to vector<16xi1>
      %reduce_sum3A_173 = tpu.scan <sum>, %scan3A_169#0 masked %reduce_sum3A_172 : vector<16xf32>, vector<16xi1> -> vector<16xf32>
      %reduce_sum3A_174 = vector.extract %reduce_sum3A_173[15] : f32 from vector<16xf32>
      %reduce_sum3A_175 = arith.constant true
      %reduce_sum3A_176 = vector.broadcast %reduce_sum3A_175 : i1 to vector<16xi1>
      %reduce_sum3A_177 = tpu.scan <sum>, %scan3A_169#1 masked %reduce_sum3A_176 : vector<16xf32>, vector<16xi1> -> vector<16xf32>
      %reduce_sum3A_178 = vector.extract %reduce_sum3A_177[15] : f32 from vector<16xf32>
      %add3A_179 = arith.constant 1 : i32
      %add3A_180 = arith.addi %while3A_149, %add3A_179 : i32
      scf.yield %reduce_sum3A_174, %reduce_sum3A_178, %while3A_145, %while3A_146, %add3A_180 : f32, f32, f32, f32, i32
    }
    %add3A_129 = arith.addf %parallel_loop3A_113#8, %parallel_loop3A_113#9 : vector<16xf32>
    %add3A_130 = arith.addf %add3A_129, %parallel_loop3A_113#10 : vector<16xf32>
    %add3A_131 = arith.addf %add3A_130, %parallel_loop3A_113#11 : vector<16xf32>
    %reduce_sum3A_132 = arith.constant true
    %reduce_sum3A_133 = vector.broadcast %reduce_sum3A_132 : i1 to vector<16xi1>
    %reduce_sum3A_134 = tpu.scan <sum>, %add3A_131 masked %reduce_sum3A_133 : vector<16xf32>, vector<16xi1> -> vector<16xf32>
    %reduce_sum3A_135 = vector.extract %reduce_sum3A_134[15] : f32 from vector<16xf32>
    %add3A_136 = arith.addf %parallel_loop3A_113#12, %parallel_loop3A_113#13 : vector<16xf32>
    %add3A_137 = arith.addf %add3A_136, %parallel_loop3A_113#14 : vector<16xf32>
    %add3A_138 = arith.addf %add3A_137, %parallel_loop3A_113#15 : vector<16xf32>
    %reduce_sum3A_139 = arith.constant true
    %reduce_sum3A_140 = vector.broadcast %reduce_sum3A_139 : i1 to vector<16xi1>
    %reduce_sum3A_141 = tpu.scan <sum>, %add3A_138 masked %reduce_sum3A_140 : vector<16xf32>, vector<16xi1> -> vector<16xf32>
    %reduce_sum3A_142 = vector.extract %reduce_sum3A_141[15] : f32 from vector<16xf32>
    %while3A_143 = arith.constant 0 : i32
    %while3A_144:5 = scf.while (%while3A_145 = %reduce_sum3A_135, %while3A_146 = %reduce_sum3A_142, %while3A_147 = %reduce_sum3A_65, %while3A_148 = %reduce_sum3A_79, %while3A_149 = %while3A_143) : (f32, f32, f32, f32, i32) -> (f32, f32, f32, f32, i32) {
      %ne3A = arith.cmpf one, %while3A_145, %while3A_147 : f32
      %ne3A_150 = arith.cmpf one, %while3A_146, %while3A_148 : f32
      %or3A = arith.ori %ne3A, %ne3A_150 : i1
      %lt3A = arith.constant 64 : i32
      %lt3A_151 = arith.cmpi slt, %while3A_149, %lt3A : i32
      %and3A = arith.andi %lt3A_151, %or3A : i1
      scf.condition(%and3A) %while3A_145, %while3A_146, %while3A_147, %while3A_148, %while3A_149 : f32, f32, f32, f32, i32
    } do {
    ^bb0(%while3A_145: f32, %while3A_146: f32, %while3A_147: f32, %while3A_148: f32, %while3A_149: i32):
      %sub3A_150 = arith.subf %reduce_sum3A_42, %while3A_145 : f32
      %max3A_151 = arith.constant 0.000000e+00 : f32
      %max3A_152 = arith.maximumf %sub3A_150, %max3A_151 : f32
      %sub3A_153 = arith.constant 1.000000e+00 : f32
      %sub3A_154 = arith.subf %sub3A_153, %while3A_146 : f32
      %max3A_155 = arith.constant 1.000000e-30 : f32
      %max3A_156 = arith.maximumf %sub3A_154, %max3A_155 : f32
      %broadcast_in_dim3A_157 = vector.broadcast %max3A_152 : f32 to vector<16xf32>
      %broadcast_in_dim3A_158 = vector.broadcast %max3A_156 : f32 to vector<16xf32>
      %div3A_159 = arith.divf %broadcast_in_dim3A_157, %broadcast_in_dim3A_158 : vector<16xf32>
      %broadcast_in_dim3A_160 = arith.constant 1.000000e+00 : f32
      %broadcast_in_dim3A_161 = vector.broadcast %broadcast_in_dim3A_160 : f32 to vector<16xf32>
      %max3A_162 = arith.constant 1.000000e-30 : f32
      %max3A_163 = vector.broadcast %max3A_162 : f32 to vector<16xf32>
      %max3A_164 = arith.maximumf %div3A_159, %max3A_163 : vector<16xf32>
      %div3A_165 = arith.divf %broadcast_in_dim3A_161, %max3A_164 : vector<16xf32>
      %scan3A = arith.constant 0 : i32
      %scan3A_166 = arith.constant 256 : i32
      %scan3A_167 = arith.addi %scan3A, %scan3A_166 : i32
      %scan3A_168 = arith.constant 1 : i32
      %scan3A_169:2 = scf.for %scan3A_181 = %scan3A to %scan3A_167 step %scan3A_168 iter_args(%scan3A_182 = %broadcast_in_dim3A_6, %scan3A_183 = %broadcast_in_dim3A_6) -> (vector<16xf32>, vector<16xf32>)  : i32 {
        %mul3A_184 = arith.constant 16 : i32
        %mul3A_185 = arith.muli %scan3A_181, %mul3A_184 : i32
        %get3A = arith.constant 1 : i32
        %get3A_186 = arith.index_cast %get3A : i32 to index
        %get3A_187 = arith.index_cast %mul3A_185 : i32 to index
        %get3A_188 = tpu.vector_load %arg7[%get3A_186, %get3A_187] {strides = array<i32>} : memref<2x4096xf32, #tpu.memory_space<vmem>>, vector<16xf32>,
        %get3A_189 = arith.constant 1 : i32
        %get3A_190 = arith.index_cast %get3A_189 : i32 to index
        %get3A_191 = arith.index_cast %mul3A_185 : i32 to index
        %get3A_192 = tpu.vector_load %arg6[%get3A_190, %get3A_191] {strides = array<i32>} : memref<2x4096xf32, #tpu.memory_space<vmem>>, vector<16xf32>,
        %mul3A_193 = arith.mulf %div3A_159, %get3A_192 : vector<16xf32>
        %gt3A = arith.cmpf ogt, %get3A_188, %mul3A_193 : vector<16xf32>
        %mul3A_194 = arith.mulf %get3A_188, %div3A_165 : vector<16xf32>
        %min3A = arith.minimumf %get3A_192, %mul3A_194 : vector<16xf32>
        %swap3A = arith.constant 1 : i32
        %swap3A_195 = arith.index_cast %swap3A : i32 to index
        %swap3A_196 = arith.index_cast %mul3A_185 : i32 to index
        %swap3A_197 = tpu.vector_load %arg8[%swap3A_195, %swap3A_196] {strides = array<i32>} : memref<2x4096xf32, #tpu.memory_space<vmem>>, vector<16xf32>,
        tpu.vector_store %arg8[%swap3A_195, %swap3A_196], %min3A {strides = array<i32>} : memref<2x4096xf32, #tpu.memory_space<vmem>>, vector<16xf32>,
        %jit3A = arith.constant 0.000000e+00 : f32
        %broadcast_in_dim3A_198 = vector.broadcast %jit3A : f32 to vector<16xf32>
        %select_n3A = arith.select %gt3A, %get3A_188, %broadcast_in_dim3A_198 : vector<16xi1>, vector<16xf32>
        %add3A_199 = arith.addf %scan3A_182, %select_n3A : vector<16xf32>
        %jit3A_200 = arith.constant 0.000000e+00 : f32
        %broadcast_in_dim3A_201 = vector.broadcast %jit3A_200 : f32 to vector<16xf32>
        %select_n3A_202 = arith.select %gt3A, %get3A_192, %broadcast_in_dim3A_201 : vector<16xi1>, vector<16xf32>
        %add3A_203 = arith.addf %scan3A_183, %select_n3A_202 : vector<16xf32>
        scf.yield %add3A_199, %add3A_203 : vector<16xf32>, vector<16xf32>
      }
      %scan3A_170 = arith.constant 256 : i32
      %reduce_sum3A_171 = arith.constant true
      %reduce_sum3A_172 = vector.broadcast %reduce_sum3A_171 : i1 to vector<16xi1>
      %reduce_sum3A_173 = tpu.scan <sum>, %scan3A_169#0 masked %reduce_sum3A_172 : vector<16xf32>, vector<16xi1> -> vector<16xf32>
      %reduce_sum3A_174 = vector.extract %reduce_sum3A_173[15] : f32 from vector<16xf32>
      %reduce_sum3A_175 = arith.constant true
      %reduce_sum3A_176 = vector.broadcast %reduce_sum3A_175 : i1 to vector<16xi1>
      %reduce_sum3A_177 = tpu.scan <sum>, %scan3A_169#1 masked %reduce_sum3A_176 : vector<16xf32>, vector<16xi1> -> vector<16xf32>
      %reduce_sum3A_178 = vector.extract %reduce_sum3A_177[15] : f32 from vector<16xf32>
      %add3A_179 = arith.constant 1 : i32
      %add3A_180 = arith.addi %while3A_149, %add3A_179 : i32
      scf.yield %reduce_sum3A_174, %reduce_sum3A_178, %while3A_145, %while3A_146, %add3A_180 : f32, f32, f32, f32, i32
    }
    "tpu.region"() ({
      %run_scoped3A = tpu.sem_alloc : memref<!tpu.dma_semaphore, #tpu.memory_space<semaphore_mem>>
      %dma_start3A_145 = arith.constant 0 : i32
      %dma_start3A_146 = tpu.memref_slice %arg4[%mul3A_2, %dma_start3A_145] : memref<64x4096xf32, #tpu.memory_space<hbm>> -> memref<2x4096xf32, #tpu.memory_space<hbm>>
      %dma_start3A_147 = arith.constant 0 : i32
      %dma_start3A_148 = tpu.memref_slice %arg4[%mul3A_2, %dma_start3A_147] : memref<64x4096xf32, #tpu.memory_space<hbm>> -> memref<2x4096xf32, #tpu.memory_space<hbm>>
      tpu.enqueue_dma source(%arg8 : memref<2x4096xf32, #tpu.memory_space<vmem>>) target(%dma_start3A_148 : memref<2x4096xf32, #tpu.memory_space<hbm>>) target_semaphore(%run_scoped3A : memref<!tpu.dma_semaphore, #tpu.memory_space<semaphore_mem>>)
      %dma_wait3A_149 = arith.constant 0 : i32
      %dma_wait3A_150 = tpu.memref_slice %arg4[%mul3A_2, %dma_wait3A_149] : memref<64x4096xf32, #tpu.memory_space<hbm>> -> memref<2x4096xf32, #tpu.memory_space<hbm>>
      %dma_wait3A_151 = arith.constant 0 : i32
      %dma_wait3A_152 = tpu.memref_slice %arg4[%mul3A_2, %dma_wait3A_151] : memref<64x4096xf32, #tpu.memory_space<hbm>> -> memref<2x4096xf32, #tpu.memory_space<hbm>>
      tpu.wait_dma2 semaphore(%run_scoped3A : memref<!tpu.dma_semaphore, #tpu.memory_space<semaphore_mem>>) src(%arg8 : memref<2x4096xf32, #tpu.memory_space<vmem>>) dst(%dma_wait3A_152 : memref<2x4096xf32, #tpu.memory_space<hbm>>)
      tpu.yield
    }) : () -> ()
    return
  }
}

</mosaic_0001>

<sc_bundles>
// kernel: kernel.3.cloned.1.call-start
scs
__scs_entry_jumppad:
0x0: {  	(pc) =	sbr.rel $0x88, $3  }
0x1: {  	(tag) =	ssettag $0x0;
	lr =	simm.s32 $0x1  }
0x2: {  	[smem:$0x3F9F] =	sst lr;
	_ =	strace $0xD0000000  }
0x3: {  	_ = 	snop  }
0x4: {  	_ = 	snop  }
0x5: {  	_ = 	snop  }
0x6: {  	_ = 	snop  }
0x7: {  	_ = 	snop  }
__scs_overlays_trampoline_lowered:
0x8: {  	[smem:$0x3FAE] =	sst s0  }
0x9: {  	[smem:$0x3FAF] =	sst s1  }
0xa: {  	[smem:$0x3FB0] =	sst s2  }
0xb: {  	[smem:$0x3FB1] =	sst s3  }
0xc: {  	[smem:$0x3FB2] =	sst s4  }
0xd: {  	[smem:$0x3FB3] =	sst s5  }
0xe: {  	[smem:$0x3FB4] =	sst s6  }
0xf: {  	[smem:$0x3FB5] =	sst s7  }
0x10: {  	[smem:$0x3FB6] =	sst s8  }
0x11: {  	[smem:$0x3FB7] =	sst s9;
	s0 =	simm.s32 @!p0 $0x0  }
0x12: {  	s1 =	sld [smem:$0x3F9D];
	s0 =	simm.s32 @p0 $0x1  }
0x13: {  	[smem:$0x3FB8] =	sst s0;
	s0 =	simm.s32 @!p1 $0x0  }
0x14: {  	s2 =	sld [smem:$0x3F9C];
	s0 =	simm.s32 @p1 $0x1  }
0x15: {  	[smem:$0x3FB9] =	sst s0;
	s0 =	simm.s32 @!p2 $0x0  }
0x16: {  	s3 =	sld [smem:$0x3FDB];
	s0 =	simm.s32 @p2 $0x1  }
0x17: {  	s4 =	simm.s32 $0x1BF5;
	[smem:$0x3FBB] =	sst s0  }
0x18: {  	s0 =	sld [smem:$0x3F9E];
	_ =	swait.ge [sflag:s4], $0x0  }
0x19: {  	s7 =	sld [smem:$0x3F9F]  }
0x1a: {  	s8 =	sadd.s32 $0xFFFFE003, lr  }
0x1b: {  	s9 =	sadd.s32 $0xFFFFFEF7, lr;
	s5 =	simm.s32 $0xFFFFFFFF;
	p2 =	slt.u32 s8, $0xFFFFF086  }
0x1c: {  	p1 =	slt.u32 s9, $0xF7A;
	s5 =	simm.s32 @!p2 $0x0  }
0x1d: {  	s5 =	simm.s32 @p1 $0x1;
	p0 =	seq.s32 s7, s2  }
0x1e: {  	s7 =	smul.u32 @!p0 $0xF7A, s2;
	p2 =	seq.s32 @!p0 s5, $0x0  }
0x1f: {  	s9 =	smul.u32 $0xF7A, s1;
	s8 =	simm.s32 @!p0 $0x1BF5;
	p2 =	por !p2, p0  }
0x20: {  	[sflag:s8] =	ssyncset.s32 @!p0 $0xFFFFF086;
	s6 =	sadd.s32 @!p0 s3, s7;
	s7 =	simm.s32 @!p0 $0x108  }
0x21: {  	s3 =	sadd.s32 s3, s9;
	s6 =	sadd.s32 @!p0 $0x88, s6;
	s7 =	simm.s32 @p2 $0x1082  }
0x22: {  	[simem:s7], [sflag:s8] =	dma.local @!p0 [hbm:s6], $0xF7A  }
0x23: {  	s9 =	sor.u32 $0xD0000000, s2;
	s6 =	simm.s32 $0x108;
	_ =	swait.ge @!p0 [sflag:s8], $0x0  }
0x24: {  	s3 =	sadd.s32 $0x88, s3;
	s6 =	simm.s32 @!p1 $0x1082;
	[sflag:s4] =	ssyncset.s32 $0xFFFFF086  }
0x25: {  	[simem:s6], [sflag:s4] =	dma.local [hbm:s3], $0xF7A  }
0x26: {  	[smem:$0x3F9F] =	sst s1;
	(tag) =	ssettag s2;
	_ =	strace s9  }
0x27: {  	s1 =	sld [smem:$0x3FAF]  }
0x28: {  	s2 =	sld [smem:$0x3FB0]  }
0x29: {  	s4 =	sld [smem:$0x3FB2]  }
0x2a: {  	p0 =	seq.s32 s5, $0x0;
	s5 =	sld [smem:$0x3FB3]  }
0x2b: {  	s6 =	sld [smem:$0x3FB4]  }
0x2c: {  	s7 =	sld [smem:$0x3FB5]  }
0x2d: {  	s3 =	simm.s32 $0x108;
	s8 =	sld [smem:$0x3FB6]  }
0x2e: {  	s3 =	simm.s32 @!p0 $0x1082;
	s9 =	sld [smem:$0x3FB7]  }
0x2f: {  	lr =	sadd.s32 s0, s3;
	s0 =	sld [smem:$0x3FAE]  }
0x30: {  	s3 =	sld [smem:$0x3FB1]  }
0x31: {  	[smem:$0x3FBA] =	sst s10  }
0x32: {  	s10 =	sld [smem:$0x3FB8];
	_ =	sdelay $0x3  }
0x33: {  	p0 =	seq.s32 s10, $0x1;
	s10 =	sld [smem:$0x3FBA];
	_ =	sdelay $0x3  }
0x34: {  	[smem:$0x3FBA] =	sst s10  }
0x35: {  	s10 =	sld [smem:$0x3FB9];
	_ =	sdelay $0x3  }
0x36: {  	p1 =	seq.s32 s10, $0x1;
	s10 =	sld [smem:$0x3FBA];
	_ =	sdelay $0x3  }
0x37: {  	[smem:$0x3FBA] =	sst s10  }
0x38: {  	s10 =	sld [smem:$0x3FBB]  }
0x39: {  	_ = 	snop;
	(pc) =	sbr.ind lr, $3  }
0x3a: {  	_ = 	snop  }
0x3b: {  	_ = 	snop  }
0x3c: {  	p2 =	seq.s32 s10, $0x1;
	s10 =	sld [smem:$0x3FBA]  }
0x3d: {  	_ =	shalt  }
0x3e: {  	_ =	shalt  }
0x3f: {  	_ =	shalt  }
0x40: {  	_ =	shalt  }
0x41: {  	_ =	shalt  }
0x42: {  	_ =	shalt  }
0x43: {  	_ =	shalt  }
0x44: {  	_ =	shalt  }
0x45: {  	_ =	shalt  }
0x46: {  	_ =	shalt  }
0x47: {  	_ =	shalt  }
0x48: {  	_ =	shalt  }
0x49: {  	_ =	shalt  }
0x4a: {  	_ =	shalt  }
0x4b: {  	_ =	shalt  }
0x4c: {  	_ =	shalt  }
0x4d: {  	_ =	shalt  }
0x4e: {  	_ =	shalt  }
0x4f: {  	_ =	shalt  }
0x50: {  	_ =	shalt  }
0x51: {  	_ =	shalt  }
0x52: {  	_ =	shalt  }
0x53: {  	_ =	shalt  }
0x54: {  	_ =	shalt  }
0x55: {  	_ =	shalt  }
0x56: {  	_ =	shalt  }
0x57: {  	_ =	shalt  }
0x58: {  	_ =	shalt  }
0x59: {  	_ =	shalt  }
0x5a: {  	_ =	shalt  }
0x5b: {  	_ =	shalt  }
0x5c: {  	_ =	shalt  }
0x5d: {  	_ =	shalt  }
0x5e: {  	_ =	shalt  }
0x5f: {  	_ =	shalt  }
0x60: {  	_ =	shalt  }
0x61: {  	_ =	shalt  }
0x62: {  	_ =	shalt  }
0x63: {  	_ =	shalt  }
0x64: {  	_ =	shalt  }
0x65: {  	_ =	shalt  }
0x66: {  	_ =	shalt  }
0x67: {  	_ =	shalt  }
0x68: {  	_ =	shalt  }
0x69: {  	_ =	shalt  }
0x6a: {  	_ =	shalt  }
0x6b: {  	_ =	shalt  }
0x6c: {  	_ =	shalt  }
0x6d: {  	_ =	shalt  }
0x6e: {  	_ =	shalt  }
0x6f: {  	_ =	shalt  }
0x70: {  	_ =	shalt  }
0x71: {  	_ =	shalt  }
0x72: {  	_ =	shalt  }
0x73: {  	_ =	shalt  }
0x74: {  	_ =	shalt  }
0x75: {  	_ =	shalt  }
0x76: {  	_ =	shalt  }
0x77: {  	_ =	shalt  }
0x78: {  	_ =	shalt  }
0x79: {  	_ =	shalt  }
0x7a: {  	_ =	shalt  }
0x7b: {  	_ =	shalt  }
0x7c: {  	_ =	shalt  }
0x7d: {  	_ =	shalt  }
0x7e: {  	_ =	shalt  }
0x7f: {  	_ =	shalt  }
0x80: {  	_ =	shalt  }
0x81: {  	_ =	shalt  }
0x82: {  	_ =	shalt  }
0x83: {  	_ =	shalt  }
0x84: {  	_ =	shalt  }
0x85: {  	_ =	shalt  }
0x86: {  	_ =	shalt  }
0x87: {  	_ =	shalt  }
.Lfunc_end0:
.L_simem_size_0:
called_computation_lowered:
.L_overlay_start_0:
0x88: {  	s2 =	sld [smem:$0x3FD9]  }
0x89: {  	s3 =	sld [smem:$0x3FFE];
	_ =	sdelay $0x1  }
0x8a: {  	s1 =	srdreg.scid  }
0x8b: {  	s0 =	sand.u32 $0x1, s1  }
0x8c: {  	s18 =	sshll.u32 s0, $0xA;
	s2 =	sadd.s32 s3, s2  }
0x8d: {  	s2 =	sadd.s32 s2, s18  }
0x8e: {  	[smem:$0x3FC6] =	sst s2  }
0x8f: {  	_ = 	snop  }
0x90: {  	s2 =	sld [smem:$0x3FC9]  }
0x91: {  	s19 =	sld [smem:$0x3FC8]  }
0x92: {  	s4 =	sld [smem:$0x3FD0];
	(tm) =	ssettm $0x1  }
0x93: {  	s5 =	sld [smem:$0x3FFB];
	_ =	sdelay $0x3  }
0x94: {  	_ =	strace s5  }
0x95: {  	s5 =	sld [smem:$0x3FFC];
	_ =	sdelay $0x3  }
0x96: {  	_ =	strace s5  }
0x97: {  	s5 =	sld [smem:$0x3FFD];
	_ =	sdelay $0x3  }
0x98: {  	_ =	strace s5  }
0x99: {  	_ =	strace $0x8FFFFFFF  }
0x9a: {  	s20 =	sld [smem:$0x3FDB];
	_ =	sdelay $0x1  }
0x9b: {  	s6 =	simm.s32 $_scs_section_size  }
0x9c: {  	s7 =	simm.s32 $_size__tile_overlayer_lowered;
	s8 =	simm.s32 $_tile_overlayer_lowered  }
0x9d: {  	s23 =	simm.s32 $0x1BFF;
	s22 =	sshll.u32 s8, $0x1;
	s5 =	sadd.s32 s6, s20  }
0x9e: {  	s9 =	simm.s32 $0x0;
	s21 =	sshll.u32 s7, $0x1;
	s7 =	sadd.s32 s22, s5  }
0x9f: {  	[timem:s9], [sflag:s23] =	dma.local [hbm:s7], s21  }
0xa0: {  	_ =	swait.ge [sflag:s23], s21  }
0xa1: {  	s6 =	ssub.s32 $0x0, s21;
	[sflag:s23] =	ssyncset.done $0x0  }
0xa2: {  	[sflag:s23] =	ssyncadd.s32 s6;
	_ =	sdelay $0x1  }
0xa3: {  	s24 =	simm.s32 $0x1B8B  }
0xa4: {  	_ =	swait.ge [sflag:s24], $0x1  }
0xa5: {  	[sflag:s24] =	ssyncset.done $0x0  }
0xa6: {  	s25 =	simm.s32 $0x1B8E;
	[sflag:s24] =	ssyncadd.s32 $0xFFFFFFFF  }
0xa7: {  	s26 =	simm.s32 $execute0_lowered;
	[smem:$0x3FD2] =	sst s25  }
0xa8: {  	s6 =	sshll.u32 s26, $0x1;
	_ =	strace $0x80000046;
	[dreg:$0x1] =	wrdreg $0xFFFFFFFF  }
0xa9: {  	s28 =	simm.s32 $_size_execute0_lowered;
	s5 =	sadd.s32 s5, s6;
	[dreg:$0x0] =	wrdreg $0x0  }
0xaa: {  	s6 =	sshll.u32 s28, $0x1;
	[dreg:$0x2] =	wrdreg s5  }
0xab: {  	[dreg:$0x3] =	wrdreg s6  }
0xac: {  	[dreg:$0x4] =	wrdreg $0xC0  }
0xad: {  	_ =	task [dreg:s9], $0x5FFFF  }
0xae: {  	[dreg:$0x1] =	wrdreg $0xFFFFFFFF  }
0xaf: {  	[dreg:$0x0] =	wrdreg $0x60  }
0xb0: {  	[dreg:$0x2] =	wrdreg s2  }
0xb1: {  	[dreg:$0x3] =	wrdreg s19  }
0xb2: {  	[dreg:$0x4] =	wrdreg s4  }
0xb3: {  	[dreg:$0x5] =	wrdreg $0x9  }
0xb4: {  	_ =	task.clear_ibuf [dreg:s9], $0x6FFFF;
	_ =	strace $0x90000046  }
0xb5: {  	s29 =	simm.s32 $0x9;
	_ =	strace $0x80000048  }
0xb6: {  	_ =	swait.ge [sflag:s29], $0x1  }
0xb7: {  	[sflag:s29] =	ssyncadd.s32 $0xFFFFFFFF  }
0xb8: {  	_ =	strace $0x90000048  }
0xb9: {  	_ =	sfence  }
0xba: {  	s30 =	sld [smem:$0x0];
	_ =	sdelay $0x2  }
0xbb: {  	s31 =	sshll.u32 s1, $0xD;
	s1 =	sshrl.u32 s1, $0x2  }
0xbc: {  	s3 =	sand.u32 $0x4000, s31;
	s1 =	sadd.s32 s1, s30  }
0xbd: {  	s0 =	sor.u32 s3, s0;
	s1 =	sshll.u32 s1, $0x11  }
0xbe: {  	s0 =	sor.u32 s1, s0  }
0xbf: {  	s0 =	sadd.s32 $0x8F2B, s0  }
0xc0: {  	[sflag:s0] =	ssyncadd.remote.s32 $0x1  }
0xc1: {  	_ =	sfence.sel $0xFFFF  }
0xc2: {  	[dreg:$0x0] =	wrdreg $0xFFFFFFFF;
	(pc) =	sbr.abs _section_cstart, $3  }
0xc3: {  	[dreg:$0x1] =	wrdreg $0xFFFFFFFF  }
0xc4: {  	_ =	task.clear_ibuf [dreg:s9], $0x2FFFF;
	_ =	strace $0x9FFFFFFF  }
0xc5: {  	(tm) =	ssettm $0x7FFFFFFF  }
tec
execute0_lowered:
.L_overlay_start_1:
0x0: {  	(tag) =	ssettag $0x1  }
0x1: {  	s4 =	rddreg [dreg:$0x0]  }
0x2: {  	s3 =	rddreg [dreg:$0x1]  }
0x3: {  	s5 =	rddreg [dreg:$0x2]  }
0x4: {  	s0 =	rddreg [dreg:$0x3];
	s2 =	simm.s32 $0x0  }
0x5: {  	s6 =	srdreg.scid;
	s1 =	stileid.u32;
	s10 =	simm.s32 $0x2  }
0x6: {  	s11 =	simm.s32 $0x1;
	s12 =	simm.s32 $0x6000;
	s13 =	simm.s32 $0x0  }
0x7: {  	[smem:$0x7FF] =	sst s2;
	s6 =	sand.u32 $0x1, s6;
	s7 =	sshll.u32 s1, $0x6  }
0x8: {  	s9 =	sshll.u32 s1, $0xB;
	s8 =	sshll.u32 s6, $0x5;
	s7 =	sand.u32 $0x40, s7  }
.Ltmp0:
0x9: {  	s6 =	ssub.s32 $0x2, s6;
	s9 =	sand.u32 $0x7000, s9;
	(pc) =	sbr.rel .LBB2_1-.Ltmp0, $4  }
0xa: {  	_ =	strace $0x80000047;
	s7 =	sor.u32 s8, s7;
	s31 =	sshrl.u32 s6, $0x1  }
0xb: {  	s8 =	simm.s32 $0x400;
	s7 =	sor.u32 s9, s7;
	s6 =	ssub.s32 s6, s31  }
0xc: {  	s9 =	simm.s32 $0x2000;
	s3 =	sadd.s32 s3, s7;
	s4 =	sadd.s32 s4, s7  }
0xd: {  	s5 =	sadd.s32 s5, s7;
	s6 =	smax.u32 s6, $0x1;
	s7 =	simm.s32 $0x100  }
.LBB2_19:
0xe: {  	s13 =	sadd.s32 $0x1, s13  }
0xf: {  	p0 =	sne.s32 s13, s6  }
.Ltmp1:
0x10: {  	_ = 	snop;
	(pc) =	sbr.rel @!p0 .LBB2_20-.Ltmp1, $4  }
0x11: {  	[hbm4b:s5+s7] =	stream.strided.scatter [tilespmem:s12], [sflag:$0x2], $0x2000, s8, s7, $0x38;
	[tilespmem:$0x8000] =	vst v63  }
0x12: {  	_ =	swait.ge [sflag:s10], $0x2000  }
0x13: {  	[sflag:s10] =	ssyncset.done $0x0  }
0x14: {  	[sflag:s10] =	ssyncadd.s32 $0xFFFFE000  }
.LBB2_1:
0x15: {  	[tilespmem:s9], [sflag:$0x1] =	stream.strided.gather [hbm4b:s3+s7], $0x2000, s8, s7, $0x38;
	[tilespmem:$0x8000] =	vst v63  }
0x16: {  	_ = 	snop  }
0x17: {  	[tilespmem:s2], [sflag:$0x2] =	stream.strided.gather [hbm4b:s4+s7], $0x2000, s8, s7, $0x38;
	[tilespmem:$0x8000] =	vst v63  }
0x18: {  	_ =	swait.ge [sflag:s10], $0x2000  }
0x19: {  	[sflag:s10] =	ssyncset.done $0x0  }
0x1a: {  	s15 =	simm.s32 $0x80;
	[sflag:s10] =	ssyncadd.s32 $0xFFFFE000  }
0x1b: {  	v4 =	vld [tilespmem:s15+$0xFFFFFFC0]  }
0x1c: {  	v5 =	vld [tilespmem:s15+$0xFFFFFFD0]  }
0x1d: {  	v1 =	vld [tilespmem:s15+$0xFFFFFFE0]  }
0x1e: {  	v3 =	vld [tilespmem:s15+$0xFFFFFFF0]  }
0x1f: {  	v12 =	vld [tilespmem:s15+$0x40]  }
0x20: {  	v2 =	vld [tilespmem:s15+$0x50]  }
0x21: {  	v0 =	vld [tilespmem:s15+$0x60]  }
0x22: {  	v7 =	vld [tilespmem:s15+$0xFFFFFF80]  }
0x23: {  	v11 =	vld [tilespmem:s15+$0xFFFFFF90]  }
0x24: {  	v8 =	vld [tilespmem:s15+$0xFFFFFFA0]  }
0x25: {  	v9 =	vld [tilespmem:s15+$0xFFFFFFB0]  }
0x26: {  	v23 =	vld [tilespmem:s15+$0x0]  }
0x27: {  	v20 =	vld [tilespmem:s15+$0x10]  }
0x28: {  	v6 =	vimm.f32 $-Inf;
	v15 =	vimm.f32 $-Inf;
	v21 =	vld [tilespmem:s15+$0x20]  }
0x29: {  	v16 =	vimm.f32 $-Inf;
	v17 =	vimm.f32 $-Inf;
	v14 =	vimm.f32 $-Inf;
	v22 =	vld [tilespmem:s15+$0x30]  }
0x2a: {  	s14 =	simm.s32 $0x0;
	v19 =	vld [tilespmem:s15+$0x70];
	s15 =	simm.s32 $0x180;
	v10 =	vmax.f32 v6, v7;
	v11 =	vmax.f32 v6, v11;
	v7 =	vimm.f32 $-Inf  }
.LBB2_2:
0x2b: {  	v10 =	vmax.f32 v10, v4;
	v4 =	vld [tilespmem:s15+$0xFFFFFFC0];
	v11 =	vmax.f32 v11, v5  }
0x2c: {  	v6 =	vmax.f32 v6, v8;
	v7 =	vmax.f32 v7, v9;
	v8 =	vmax.f32 v15, v23;
	v5 =	vld [tilespmem:s15+$0xFFFFFFD0]  }
0x2d: {  	v6 =	vmax.f32 v6, v1;
	v7 =	vmax.f32 v7, v3;
	v15 =	vmax.f32 v8, v12;
	v1 =	vld [tilespmem:s15+$0xFFFFFFE0]  }
0x2e: {  	v8 =	vmax.f32 v16, v20;
	v9 =	vmax.f32 v17, v21;
	v3 =	vld [tilespmem:s15+$0xFFFFFFF0];
	v13 =	vmax.f32 v14, v22  }
0x2f: {  	v16 =	vmax.f32 v8, v2;
	v17 =	vmax.f32 v9, v0;
	v12 =	vld [tilespmem:s15+$0x40];
	v14 =	vmax.f32 v13, v19  }
0x30: {  	v2 =	vld [tilespmem:s15+$0x50]  }
0x31: {  	v0 =	vld [tilespmem:s15+$0x60]  }
0x32: {  	v13 =	vld [tilespmem:s15+$0xFFFFFF80]  }
0x33: {  	v18 =	vld [tilespmem:s15+$0xFFFFFF90]  }
0x34: {  	s14 =	sadd.s32 $0x80, s14;
	v8 =	vld [tilespmem:s15+$0xFFFFFFA0]  }
0x35: {  	p0 =	slt.u32 s14, $0xF80;
	v9 =	vld [tilespmem:s15+$0xFFFFFFB0]  }
.Ltmp2:
0x36: {  	v23 =	vld [tilespmem:s15+$0x0];
	(pc) =	sbr.rel @p0 .LBB2_2-.Ltmp2, $4  }
0x37: {  	v20 =	vld [tilespmem:s15+$0x10]  }
0x38: {  	v21 =	vld [tilespmem:s15+$0x20]  }
0x39: {  	v22 =	vld [tilespmem:s15+$0x30]  }
0x3a: {  	v10 =	vmax.f32 v10, v13;
	v11 =	vmax.f32 v11, v18;
	v19 =	vld [tilespmem:s15+$0x70];
	s15 =	sadd.s32 $0x100, s15  }
0x3b: {  	v4 =	vmax.f32 v10, v4;
	v5 =	vmax.f32 v11, v5;
	v6 =	vmax.f32 v6, v8  }
0x3c: {  	v7 =	vmax.f32 v7, v9;
	v1 =	vmax.f32 v6, v1;
	v4 =	vmax.f32 v4, v5  }
0x3d: {  	v3 =	vmax.f32 v7, v3;
	v1 =	vmax.f32 v4, v1  }
0x3e: {  	v1 =	vmax.f32 v1, v3  }
0x3f: {  	(xrf0) =	vmax.scan.msk.f32 $0xffff, v1;
	_ =	sdelay $0x2  }
0x40: {  	s29 =	simm.s32 $0x80  }
0x41: {  	v3 =	vld [tilespmem:s29+$0xFFFFFFC0];
	_ =	sdelay $0x1  }
0x42: {  	v1, _, _ =	vpop (xrf0)  }
0x43: {  	v1 =	vbroadcast v1, $0xF;
	_ =	sdelay $0x1  }
0x44: {  	v3 =	vsub.f32 v3, v1;
	_ =	sdelay $0x1  }
0x45: {  	v3 =	vmul.f32 $1.442695020e+00, v3  }
0x46: {  	v4 =	vld [tilespmem:s29+$0xFFFFFF80]  }
0x47: {  	(erf) = vpow2.f32 v3;
	_ =	sdelay $0x3  }
0x48: {  	v3 =	vsub.f32 v4, v1;
	_ =	sdelay $0x1  }
0x49: {  	v3 =	vmul.f32 $1.442695020e+00, v3;
	_ =	sdelay $0x1  }
0x4a: {  	(erf) = vpow2.f32 v3  }
0x4b: {  	s14 =	simm.s32 $0x4080;
	v4 =	vpop (erf)  }
0x4c: {  	[tilespmem:s14+$0xFFFFFFC0] =	vst v4  }
0x4d: {  	s26 =	simm.s32 $0x180;
	v3 =	vld [tilespmem:s29+$0xFFFFFFD0]  }
0x4e: {  	v5 =	vld [tilespmem:s26+$0xFFFFFFC0];
	_ =	sdelay $0x3  }
0x4f: {  	v3 =	vsub.f32 v3, v1  }
0x50: {  	v5 =	vsub.f32 v5, v1;
	v6 =	vpop (erf)  }
0x51: {  	v8 =	vld [tilespmem:s26+$0xFFFFFF80];
	[tilespmem:s14+$0xFFFFFF80] =	vst v6;
	v3 =	vmul.f32 $1.442695020e+00, v3  }
0x52: {  	v5 =	vmul.f32 $1.442695020e+00, v5;
	v7 =	vld [tilespmem:s29+$0xFFFFFF90]  }
0x53: {  	(erf) = vpow2.f32 v3  }
0x54: {  	(erf) = vpow2.f32 v5;
	_ =	sdelay $0x1  }
0x55: {  	v5 =	vsub.f32 v8, v1  }
0x56: {  	v3 =	vsub.f32 v7, v1  }
0x57: {  	v5 =	vmul.f32 $1.442695020e+00, v5  }
0x58: {  	v3 =	vmul.f32 $1.442695020e+00, v3;
	_ =	sdelay $0x1  }
0x59: {  	(erf) = vpow2.f32 v3  }
0x5a: {  	(erf) = vpow2.f32 v5;
	v5 =	vpop (erf)  }
0x5b: {  	s15 =	simm.s32 $0x4180;
	[tilespmem:s14+$0xFFFFFFD0] =	vst v5;
	v3 =	vpop (erf)  }
0x5c: {  	v7 =	vld [tilespmem:s29+$0xFFFFFFE0];
	[tilespmem:s15+$0xFFFFFFC0] =	vst v3  }
0x5d: {  	s23 =	simm.s32 $0x280;
	v8 =	vld [tilespmem:s26+$0xFFFFFFD0]  }
0x5e: {  	v9 =	vld [tilespmem:s23+$0xFFFFFFC0];
	_ =	sdelay $0x2  }
0x5f: {  	v7 =	vsub.f32 v7, v1  }
0x60: {  	v10 =	vsub.f32 v8, v1  }
0x61: {  	v9 =	vsub.f32 v9, v1;
	v11 =	vpop (erf);
	v7 =	vmul.f32 $1.442695020e+00, v7  }
0x62: {  	v8 =	vpop (erf);
	v10 =	vmul.f32 $1.442695020e+00, v10  }
0x63: {  	[tilespmem:s15+$0xFFFFFF80] =	vst v8;
	(erf) = vpow2.f32 v7;
	v7 =	vmul.f32 $1.442695020e+00, v9;
	v9 =	vld [tilespmem:s23+$0xFFFFFF80]  }
0x64: {  	v13 =	vld [tilespmem:s26+$0xFFFFFF90]  }
0x65: {  	(erf) = vpow2.f32 v10;
	_ =	sdelay $0x1  }
0x66: {  	(erf) = vpow2.f32 v7  }
0x67: {  	v9 =	vsub.f32 v9, v1  }
0x68: {  	v7 =	vsub.f32 v13, v1  }
0x69: {  	v10 =	vmul.f32 $1.442695020e+00, v9  }
0x6a: {  	v7 =	vmul.f32 $1.442695020e+00, v7  }
0x6b: {  	[tilespmem:s14+$0xFFFFFF90] =	vst v11  }
0x6c: {  	v13 =	vld [tilespmem:s29+$0xFFFFFFA0];
	(erf) = vpow2.f32 v7;
	v9 =	vpop (erf)  }
0x6d: {  	(erf) = vpow2.f32 v10;
	v10 =	vpop (erf)  }
0x6e: {  	[tilespmem:s15+$0xFFFFFFD0] =	vst v10  }
0x6f: {  	s16 =	simm.s32 $0x4280;
	v7 =	vpop (erf);
	v18 =	vld [tilespmem:s26+$0xFFFFFFE0]  }
0x70: {  	[tilespmem:s16+$0xFFFFFFC0] =	vst v7  }
0x71: {  	s20 =	simm.s32 $0x380;
	v13 =	vsub.f32 v13, v1;
	v24 =	vld [tilespmem:s23+$0xFFFFFFD0]  }
0x72: {  	v25 =	vld [tilespmem:s20+$0xFFFFFFC0]  }
0x73: {  	v13 =	vmul.f32 $1.442695020e+00, v13  }
0x74: {  	[tilespmem:s14+$0xFFFFFFE0] =	vst v9;
	v27 =	vsub.f32 v18, v1  }
0x75: {  	v26 =	vld [tilespmem:s29+$0xFFFFFFF0]  }
0x76: {  	v18 =	vpop (erf);
	v24 =	vsub.f32 v24, v1;
	v27 =	vmul.f32 $1.442695020e+00, v27  }
0x77: {  	v25 =	vsub.f32 v25, v1;
	(erf) = vpow2.f32 v13;
	v13 =	vpop (erf)  }
0x78: {  	[tilespmem:s16+$0xFFFFFF80] =	vst v13;
	v24 =	vmul.f32 $1.442695020e+00, v24;
	(erf) = vpow2.f32 v27;
	v27 =	vld [tilespmem:s20+$0xFFFFFF80]  }
0x79: {  	v25 =	vmul.f32 $1.442695020e+00, v25;
	v28 =	vld [tilespmem:s23+$0xFFFFFF90]  }
0x7a: {  	v26 =	vsub.f32 v26, v1;
	(erf) = vpow2.f32 v24  }
0x7b: {  	(erf) = vpow2.f32 v25  }
0x7c: {  	v24 =	vmul.f32 $1.442695020e+00, v26  }
0x7d: {  	v15 =	vmax.f32 v15, v23;
	v17 =	vmax.f32 v17, v21;
	v21 =	vsub.f32 v27, v1  }
0x7e: {  	v12 =	vmax.f32 v15, v12;
	(erf) = vpow2.f32 v24;
	v15 =	vsub.f32 v28, v1  }
0x7f: {  	v16 =	vmax.f32 v16, v20;
	v0 =	vmax.f32 v17, v0;
	v17 =	vmul.f32 $1.442695020e+00, v21  }
0x80: {  	v2 =	vmax.f32 v16, v2;
	v14 =	vmax.f32 v14, v22;
	[tilespmem:s15+$0xFFFFFF90] =	vst v18;
	v20 =	vpop (erf);
	v15 =	vmul.f32 $1.442695020e+00, v15  }
0x81: {  	v2 =	vmax.f32 v12, v2;
	v14 =	vmax.f32 v14, v19;
	v16 =	vld [tilespmem:s26+$0xFFFFFFA0];
	[tilespmem:s14+$0xFFFFFFA0] =	vst v20  }
0x82: {  	v0 =	vmax.f32 v2, v0;
	v2 =	vld [tilespmem:s29+$0xFFFFFFB0];
	(erf) = vpow2.f32 v15;
	v12 =	vpop (erf)  }
0x83: {  	(erf) = vpow2.f32 v17;
	v17 =	vpop (erf)  }
0x84: {  	s17 =	simm.s32 $0x4380;
	v0 =	vmax.f32 v0, v14;
	[tilespmem:s16+$0xFFFFFFD0] =	vst v17;
	v14 =	vpop (erf)  }
0x85: {  	(xrf0) =	vmax.scan.msk.f32 $0xffff, v0;
	v0 =	vld [tilespmem:s23+$0xFFFFFFE0];
	[tilespmem:s17+$0xFFFFFFC0] =	vst v14  }
0x86: {  	s21 =	simm.s32 $0x480;
	v15 =	vsub.f32 v16, v1;
	v19 =	vld [tilespmem:s20+$0xFFFFFFD0]  }
0x87: {  	v2 =	vsub.f32 v2, v1;
	v21 =	vld [tilespmem:s21+$0xFFFFFFC0];
	v16 =	vpop (erf)  }
0x88: {  	v15 =	vmul.f32 $1.442695020e+00, v15;
	[tilespmem:s14+$0xFFFFFFF0] =	vst v16  }
0x89: {  	v2 =	vmul.f32 $1.442695020e+00, v2;
	[tilespmem:s15+$0xFFFFFFE0] =	vst v12;
	v23 =	vld [tilespmem:s29+$0x40]  }
0x8a: {  	(erf) = vpow2.f32 v15;
	v15 =	vld [tilespmem:s26+$0xFFFFFFF0];
	v24 =	vsub.f32 v0, v1  }
0x8b: {  	v22, _, _ =	vpop (xrf0);
	(erf) = vpow2.f32 v2;
	v2 =	vsub.f32 v19, v1  }
0x8c: {  	v21 =	vsub.f32 v21, v1;
	v25 =	vpop (erf);
	v0 =	vbroadcast v22, $0xF;
	v19 =	vmul.f32 $1.442695020e+00, v24  }
0x8d: {  	v22 =	vpop (erf);
	v2 =	vmul.f32 $1.442695020e+00, v2  }
0x8e: {  	[tilespmem:s17+$0xFFFFFF80] =	vst v22;
	(erf) = vpow2.f32 v19;
	v19 =	vmul.f32 $1.442695020e+00, v21;
	v21 =	vsub.f32 v23, v0;
	v23 =	vld [tilespmem:s21+$0xFFFFFF80]  }
0x8f: {  	v15 =	vsub.f32 v15, v1;
	v24 =	vld [tilespmem:s20+$0xFFFFFF90]  }
0x90: {  	(erf) = vpow2.f32 v2;
	v2 =	vmul.f32 $1.442695020e+00, v21  }
0x91: {  	v15 =	vmul.f32 $1.442695020e+00, v15;
	(erf) = vpow2.f32 v19  }
0x92: {  	(erf) = vpow2.f32 v2  }
0x93: {  	[tilespmem:s16+$0xFFFFFF90] =	vst v25;
	v26 =	vpop (erf);
	(erf) = vpow2.f32 v15;
	v19 =	vsub.f32 v23, v1  }
0x94: {  	[tilespmem:s15+$0xFFFFFFA0] =	vst v26;
	v2 =	vsub.f32 v24, v1;
	v24 =	vpop (erf);
	v15 =	vld [tilespmem:s23+$0xFFFFFFA0]  }
0x95: {  	v21 =	vld [tilespmem:s26+$0xFFFFFFB0];
	[tilespmem:s14+$0xFFFFFFB0] =	vst v24;
	v27 =	vmul.f32 $1.442695020e+00, v19  }
0x96: {  	v2 =	vmul.f32 $1.442695020e+00, v2;
	v23 =	vld [tilespmem:s29+$0x0];
	_ =	sdelay $0x1  }
0x97: {  	(erf) = vpow2.f32 v2;
	v19 =	vpop (erf)  }
0x98: {  	(erf) = vpow2.f32 v27;
	v2 =	vsub.f32 v15, v1;
	v27 =	vpop (erf)  }
0x99: {  	s18 =	simm.s32 $0x4480;
	v28 =	vsub.f32 v21, v1;
	[tilespmem:s17+$0xFFFFFFD0] =	vst v27;
	v15 =	vpop (erf)  }
0x9a: {  	v23 =	vsub.f32 v23, v0;
	v2 =	vmul.f32 $1.442695020e+00, v2;
	v29 =	vld [tilespmem:s20+$0xFFFFFFE0];
	[tilespmem:s18+$0xFFFFFFC0] =	vst v15;
	v21 =	vpop (erf)  }
0x9b: {  	s22 =	simm.s32 $0x580;
	v28 =	vmul.f32 $1.442695020e+00, v28;
	v30 =	vld [tilespmem:s21+$0xFFFFFFD0];
	v31 =	vpop (erf)  }
0x9c: {  	(erf) = vpow2.f32 v2;
	v2 =	vmul.f32 $1.442695020e+00, v23;
	v23 =	vld [tilespmem:s22+$0xFFFFFFC0];
	[tilespmem:s15+$0xFFFFFFF0] =	vst v31  }
0x9d: {  	(erf) = vpow2.f32 v28;
	v28 =	vld [tilespmem:s26+$0x40];
	_ =	sdelay $0x2  }
0x9e: {  	[tilespmem:s14+$0x40] =	vst v21  }
0x9f: {  	[tilespmem:s16+$0xFFFFFFE0] =	vst v19;
	(erf) = vpow2.f32 v2;
	v2 =	vsub.f32 v29, v1;
	v29 =	vld [tilespmem:s29+$0x50];
	v23 =	vsub.f32 v23, v1  }
0xa0: {  	v32 =	vld [tilespmem:s23+$0xFFFFFFF0];
	v33 =	vpop (erf);
	v30 =	vsub.f32 v30, v1;
	v28 =	vsub.f32 v28, v0  }
0xa1: {  	v34 =	vpop (erf);
	v35 =	vmul.f32 $1.442695020e+00, v2;
	v23 =	vmul.f32 $1.442695020e+00, v23  }
0xa2: {  	[tilespmem:s18+$0xFFFFFF80] =	vst v34;
	v2 =	vimm.f32 $0.0e+00;
	v30 =	vmul.f32 $1.442695020e+00, v30;
	v28 =	vmul.f32 $1.442695020e+00, v28  }
0xa3: {  	v62 =	vld [tilespmem:s21+$0xFFFFFF90];
	v6 =	vadd.f32 v6, v2;
	(erf) = vpow2.f32 v35  }
0xa4: {  	v11 =	vadd.f32 v11, v2;
	(erf) = vpow2.f32 v30;
	v30 =	vld [tilespmem:s22+$0xFFFFFF80];
	v29 =	vsub.f32 v29, v0  }
0xa5: {  	v32 =	vsub.f32 v32, v1;
	[tilespmem:s17+$0xFFFFFF90] =	vst v33;
	v4 =	vadd.f32 v4, v6;
	(erf) = vpow2.f32 v23;
	v23 =	vpop (erf)  }
0xa6: {  	v5 =	vadd.f32 v5, v11;
	v11 =	vld [tilespmem:s20+$0xFFFFFFA0];
	v6 =	vmul.f32 $1.442695020e+00, v29;
	(erf) = vpow2.f32 v28;
	[tilespmem:s16+$0xFFFFFFA0] =	vst v23;
	v28 =	vpop (erf)  }
0xa7: {  	v20 =	vadd.f32 v20, v2;
	v29 =	vmul.f32 $1.442695020e+00, v32;
	v4 =	vadd.f32 v8, v4;
	v8 =	vld [tilespmem:s23+$0xFFFFFFB0];
	[tilespmem:s15+$0xFFFFFFB0] =	vst v28  }
0xa8: {  	v5 =	vadd.f32 v18, v5;
	(erf) = vpow2.f32 v6;
	v6 =	vsub.f32 v62, v1;
	v18 =	vld [tilespmem:s26+$0x0]  }
0xa9: {  	v3 =	vadd.f32 v3, v4;
	v30 =	vsub.f32 v30, v1  }
0xaa: {  	v4 =	vadd.f32 v10, v5;
	v63 =	vpop (erf);
	(erf) = vpow2.f32 v29;
	v6 =	vmul.f32 $1.442695020e+00, v6  }
0xab: {  	v10 =	vadd.f32 v9, v20;
	v9 =	vsub.f32 v11, v1;
	[tilespmem:s14+$0x0] =	vst v63;
	v5 =	vmul.f32 $1.442695020e+00, v30  }
0xac: {  	v29 =	vld [tilespmem:s29+$0x10];
	(erf) = vpow2.f32 v6;
	v8 =	vsub.f32 v8, v1  }
0xad: {  	(erf) = vpow2.f32 v5;
	v5 =	vmul.f32 $1.442695020e+00, v9;
	v9 =	vsub.f32 v18, v0  }
0xae: {  	v3 =	vadd.f32 v13, v3;
	v4 =	vadd.f32 v25, v4;
	v6 =	vpop (erf)  }
0xaf: {  	v11 =	vpop (erf)  }
0xb0: {  	v3 =	vadd.f32 v7, v3;
	v4 =	vadd.f32 v17, v4;
	v7 =	vmul.f32 $1.442695020e+00, v8;
	[tilespmem:s18+$0xFFFFFFD0] =	vst v11;
	v8 =	vpop (erf)  }
0xb1: {  	s19 =	simm.s32 $0x4580;
	(erf) = vpow2.f32 v5;
	v13 =	vsub.f32 v29, v0;
	v5 =	vmul.f32 $1.442695020e+00, v9;
	v17 =	vld [tilespmem:s21+$0xFFFFFFE0];
	v9 =	vpop (erf)  }
0xb2: {  	v10 =	vadd.f32 v26, v10;
	[tilespmem:s19+$0xFFFFFFC0] =	vst v8;
	v20 =	vpop (erf)  }
0xb3: {  	s24 =	simm.s32 $0x680;
	v3 =	vadd.f32 v22, v3;
	(erf) = vpow2.f32 v7;
	v7 =	vmul.f32 $1.442695020e+00, v13;
	v13 =	vld [tilespmem:s22+$0xFFFFFFD0];
	v22 =	vpop (erf)  }
0xb4: {  	v4 =	vadd.f32 v33, v4;
	(erf) = vpow2.f32 v5;
	v5 =	vld [tilespmem:s24+$0xFFFFFFC0];
	[tilespmem:s16+$0xFFFFFFF0] =	vst v22  }
0xb5: {  	v18 =	vadd.f32 v24, v2;
	[tilespmem:s15+$0x40] =	vst v9;
	(erf) = vpow2.f32 v7;
	v7 =	vadd.f32 v12, v10;
	v10 =	vld [tilespmem:s23+$0x40]  }
0xb6: {  	[tilespmem:s17+$0xFFFFFFE0] =	vst v6;
	v3 =	vadd.f32 v14, v3;
	v12 =	vsub.f32 v17, v1;
	v17 =	vld [tilespmem:s26+$0x50]  }
0xb7: {  	v4 =	vadd.f32 v27, v4;
	v16 =	vadd.f32 v16, v18;
	v18 =	vld [tilespmem:s20+$0xFFFFFFF0]  }
0xb8: {  	v3 =	vadd.f32 v34, v3;
	v14 =	vpop (erf);
	v13 =	vsub.f32 v13, v1;
	v12 =	vmul.f32 $1.442695020e+00, v12  }
0xb9: {  	v24 =	vpop (erf);
	v7 =	vadd.f32 v23, v7;
	v5 =	vsub.f32 v5, v1  }
0xba: {  	v26 =	vld [tilespmem:s24+$0xFFFFFF80];
	[tilespmem:s19+$0xFFFFFF80] =	vst v24;
	v27 =	vpop (erf);
	v13 =	vmul.f32 $1.442695020e+00, v13;
	(erf) = vpow2.f32 v12;
	v10 =	vsub.f32 v10, v0  }
0xbb: {  	v25 =	vld [tilespmem:s22+$0xFFFFFF90];
	[tilespmem:s17+$0xFFFFFFA0] =	vst v27;
	v12 =	vadd.f32 v19, v7;
	v5 =	vmul.f32 $1.442695020e+00, v5;
	v17 =	vsub.f32 v17, v0  }
0xbc: {  	[tilespmem:s18+$0xFFFFFF90] =	vst v14;
	v19 =	vpop (erf);
	(erf) = vpow2.f32 v13;
	v13 =	vsub.f32 v18, v1;
	v18 =	vld [tilespmem:s20+$0xFFFFFFB0];
	v10 =	vmul.f32 $1.442695020e+00, v10  }
0xbd: {  	v23 =	vadd.f32 v63, v2;
	v7 =	vld [tilespmem:s21+$0xFFFFFFA0];
	(erf) = vpow2.f32 v5;
	v17 =	vmul.f32 $1.442695020e+00, v17  }
0xbe: {  	v14 =	vadd.f32 v14, v4;
	[tilespmem:s16+$0xFFFFFFB0] =	vst v19;
	v13 =	vmul.f32 $1.442695020e+00, v13;
	(erf) = vpow2.f32 v10  }
0xbf: {  	v4 =	vsub.f32 v26, v1;
	v21 =	vadd.f32 v21, v23;
	v23 =	vld [tilespmem:s23+$0x0];
	v5 =	vpop (erf);
	(erf) = vpow2.f32 v17  }
0xc0: {  	v16 =	vadd.f32 v28, v16;
	v25 =	vsub.f32 v25, v1;
	[tilespmem:s15+$0x0] =	vst v5;
	v28 =	vpop (erf);
	(erf) = vpow2.f32 v13  }
0xc1: {  	v10 =	vld [tilespmem:s26+$0x10];
	[tilespmem:s14+$0x10] =	vst v28;
	v13 =	vadd.f32 v15, v3;
	v3 =	vmul.f32 $1.442695020e+00, v4;
	v4 =	vsub.f32 v18, v1  }
0xc2: {  	[tilespmem:s14+$0x50] =	vst v20;
	v7 =	vsub.f32 v7, v1;
	v17 =	vmul.f32 $1.442695020e+00, v25;
	v26 =	vld [tilespmem:s29+$0x20]  }
0xc3: {  	v16 =	vadd.f32 v31, v16;
	v25 =	vld [tilespmem:s29+$0x60]  }
0xc4: {  	v7 =	vmul.f32 $1.442695020e+00, v7;
	(erf) = vpow2.f32 v17;
	v15 =	vsub.f32 v23, v0  }
0xc5: {  	v11 =	vadd.f32 v11, v14;
	v17 =	vmul.f32 $1.442695020e+00, v4;
	(erf) = vpow2.f32 v3;
	v4 =	vpop (erf)  }
0xc6: {  	v10 =	vsub.f32 v10, v0;
	(erf) = vpow2.f32 v7;
	v7 =	vmul.f32 $1.442695020e+00, v15;
	v23 =	vpop (erf)  }
0xc7: {  	s25 =	simm.s32 $0x4680;
	v12 =	vadd.f32 v27, v12;
	v18 =	vsub.f32 v26, v0;
	[tilespmem:s19+$0xFFFFFFD0] =	vst v23;
	v3 =	vpop (erf)  }
0xc8: {  	v15 =	vsub.f32 v25, v0;
	(erf) = vpow2.f32 v17;
	v10 =	vmul.f32 $1.442695020e+00, v10;
	v14 =	vld [tilespmem:s22+$0xFFFFFFE0];
	[tilespmem:s25+$0xFFFFFFC0] =	vst v3  }
0xc9: {  	(erf) = vpow2.f32 v7;
	v17 =	vmul.f32 $1.442695020e+00, v18;
	v18 =	vadd.f32 v28, v2;
	v25 =	vld [tilespmem:s24+$0xFFFFFFD0]  }
0xca: {  	s28 =	simm.s32 $0x780;
	v13 =	vadd.f32 v24, v13;
	v7 =	vpop (erf);
	(erf) = vpow2.f32 v10;
	v10 =	vmul.f32 $1.442695020e+00, v15  }
0xcb: {  	v15 =	vadd.f32 v19, v16;
	v19 =	vpop (erf);
	(erf) = vpow2.f32 v17;
	v17 =	vadd.f32 v20, v18;
	v20 =	vld [tilespmem:s28+$0xFFFFFFC0];
	[tilespmem:s16+$0x40] =	vst v7  }
0xcc: {  	[tilespmem:s18+$0xFFFFFFE0] =	vst v4;
	v18 =	vadd.f32 v5, v21;
	v5 =	vpop (erf);
	(erf) = vpow2.f32 v10;
	v10 =	vadd.f32 v6, v12;
	v12 =	vld [tilespmem:s23+$0x50]  }
0xcd: {  	v16 =	vld [tilespmem:s21+$0xFFFFFFF0];
	v15 =	vadd.f32 v22, v15;
	[tilespmem:s17+$0xFFFFFFF0] =	vst v5;
	v21 =	vpop (erf);
	v14 =	vsub.f32 v14, v1  }
0xce: {  	v22 =	vld [tilespmem:s20+$0x40];
	v11 =	vadd.f32 v21, v11;
	v24 =	vsub.f32 v25, v1  }
0xcf: {  	v18 =	vadd.f32 v9, v18;
	v9 =	vadd.f32 v8, v13;
	v6 =	vpop (erf);
	[tilespmem:s19+$0xFFFFFF90] =	vst v21;
	v21 =	vld [tilespmem:s28+$0xFFFFFF80]  }
0xd0: {  	[tilespmem:s25+$0xFFFFFF80] =	vst v6;
	v25 =	vld [tilespmem:s22+$0xFFFFFFA0];
	v13 =	vmul.f32 $1.442695020e+00, v14;
	v8 =	vadd.f32 v23, v11;
	v24 =	vmul.f32 $1.442695020e+00, v24  }
0xd1: {  	v20 =	vsub.f32 v20, v1;
	v23 =	vld [tilespmem:s24+$0xFFFFFF90];
	v12 =	vsub.f32 v12, v0;
	v14 =	vpop (erf)  }
0xd2: {  	(erf) = vpow2.f32 v13;
	[tilespmem:s18+$0xFFFFFFA0] =	vst v14;
	v11 =	vpop (erf);
	v10 =	vadd.f32 v14, v10;
	v14 =	vsub.f32 v16, v1  }
0xd3: {  	v16 =	vmul.f32 $1.442695020e+00, v20;
	(erf) = vpow2.f32 v24;
	v22 =	vsub.f32 v22, v0;
	[tilespmem:s17+$0xFFFFFFB0] =	vst v11;
	v13 =	vld [tilespmem:s21+$0xFFFFFFB0];
	v28 =	vpop (erf)  }
0xd4: {  	v21 =	vsub.f32 v21, v1;
	v12 =	vmul.f32 $1.442695020e+00, v12;
	v20 =	vld [tilespmem:s20+$0x0];
	[tilespmem:s16+$0x0] =	vst v28;
	v24 =	vpop (erf)  }
0xd5: {  	v11 =	vadd.f32 v11, v15;
	(erf) = vpow2.f32 v16;
	v16 =	vmul.f32 $1.442695020e+00, v22;
	v15 =	vld [tilespmem:s23+$0x10];
	[tilespmem:s15+$0x10] =	vst v24;
	v26 =	vpop (erf)  }
0xd6: {  	v25 =	vsub.f32 v25, v1;
	v14 =	vmul.f32 $1.442695020e+00, v14;
	v23 =	vsub.f32 v23, v1;
	v22 =	vld [tilespmem:s26+$0x20];
	[tilespmem:s14+$0x20] =	vst v26  }
0xd7: {  	[tilespmem:s15+$0x50] =	vst v19;
	v21 =	vmul.f32 $1.442695020e+00, v21;
	v17 =	vadd.f32 v24, v17;
	v29 =	vpop (erf);
	(erf) = vpow2.f32 v16;
	v24 =	vld [tilespmem:s29+$0x30]  }
0xd8: {  	v16 =	vmul.f32 $1.442695020e+00, v23;
	v23 =	vld [tilespmem:s26+$0x60];
	[tilespmem:s14+$0x60] =	vst v29;
	(erf) = vpow2.f32 v12;
	v13 =	vsub.f32 v13, v1  }
0xd9: {  	v25 =	vmul.f32 $1.442695020e+00, v25;
	v26 =	vadd.f32 v26, v2;
	v27 =	vld [tilespmem:s29+$0x70];
	(erf) = vpow2.f32 v14  }
0xda: {  	(erf) = vpow2.f32 v16;
	v14 =	vsub.f32 v20, v0;
	v13 =	vmul.f32 $1.442695020e+00, v13  }
0xdb: {  	(erf) = vpow2.f32 v21;
	v12 =	vpop (erf);
	v15 =	vsub.f32 v15, v0;
	v20 =	vsub.f32 v22, v0  }
0xdc: {  	v16 =	vpop (erf);
	(erf) = vpow2.f32 v25;
	v14 =	vmul.f32 $1.442695020e+00, v14;
	v22 =	vsub.f32 v24, v0  }
0xdd: {  	[tilespmem:s25+$0xFFFFFFD0] =	vst v16;
	(erf) = vpow2.f32 v13;
	v24 =	vsub.f32 v23, v0;
	v30 =	vmul.f32 $1.442695020e+00, v15  }
0xde: {  	s29 =	simm.s32 $0x4780;
	[tilespmem:s19+$0xFFFFFFE0] =	vst v12;
	v15 =	vadd.f32 v29, v26;
	v21 =	vsub.f32 v27, v0;
	v23 =	vld [tilespmem:s24+$0xFFFFFFE0];
	v27 =	vmul.f32 $1.442695020e+00, v20;
	v13 =	vpop (erf)  }
0xdf: {  	v20 =	vld [tilespmem:s22+$0xFFFFFFF0];
	(erf) = vpow2.f32 v14;
	v14 =	vadd.f32 v19, v17;
	v26 =	vmul.f32 $1.442695020e+00, v22;
	[tilespmem:s29+$0xFFFFFFC0] =	vst v13  }
0xe0: {  	s30 =	simm.s32 $0x380;
	s31 =	simm.s32 $0x880;
	v22 =	vadd.f32 v28, v18;
	v28 =	vmul.f32 $1.442695020e+00, v24;
	v19 =	vpop (erf);
	(erf) = vpow2.f32 v30;
	v25 =	vld [tilespmem:s28+$0xFFFFFFD0]  }
.LBB2_4:
0xe1: {  	s30 =	sadd.s32 $0x80, s30;
	v11 =	vadd.f32 v5, v11;
	v17 =	vpop (erf);
	(erf) = vpow2.f32 v27;
	v21 =	vmul.f32 $1.442695020e+00, v21  }
0xe2: {  	v10 =	vadd.f32 v4, v10;
	v24 =	vld [tilespmem:s31+$0xFFFFFFC0];
	p0 =	slt.u32 s30, $0xF80;
	v5 =	vpop (erf);
	[tilespmem:s17+$0x40] =	vst v19;
	v18 =	vadd.f32 v7, v22;
	(erf) = vpow2.f32 v28  }
0xe3: {  	v7 =	vadd.f32 v6, v9;
	v22 =	vsub.f32 v23, v1;
	v4 =	vpop (erf);
	[tilespmem:s18+$0xFFFFFFF0] =	vst v5;
	v23 =	vld [tilespmem:s20+$0x50];
	(erf) = vpow2.f32 v26  }
0xe4: {  	v6 =	vpop (erf);
	[tilespmem:s25+$0xFFFFFF90] =	vst v4;
	v8 =	vadd.f32 v4, v8;
	v26 =	vld [tilespmem:s21+$0x40];
	(erf) = vpow2.f32 v21;
	v4 =	vmov v12  }
0xe5: {  	v9 =	vadd.f32 v3, v7;
	v12 =	vld [tilespmem:s31+$0xFFFFFF80];
	[tilespmem:s29+$0xFFFFFF80] =	vst v6;
	v21 =	vsub.f32 v25, v1;
	v27 =	vmul.f32 $1.442695020e+00, v22;
	v3 =	vpop (erf)  }
0xe6: {  	v25 =	vld [tilespmem:s24+$0xFFFFFFA0];
	v8 =	vadd.f32 v16, v8;
	[tilespmem:s19+$0xFFFFFFA0] =	vst v3;
	v10 =	vadd.f32 v3, v10;
	v16 =	vpop (erf);
	v3 =	vmov v13  }
0xe7: {  	v20 =	vsub.f32 v20, v1;
	v7 =	vmovc v19;
	v13 =	vsub.f32 v24, v1;
	v24 =	vld [tilespmem:s28+$0xFFFFFF90];
	v21 =	vmul.f32 $1.442695020e+00, v21;
	[tilespmem:s18+$0xFFFFFFB0] =	vst v16  }
0xe8: {  	v11 =	vadd.f32 v16, v11;
	(erf) = vpow2.f32 v27;
	v19 =	vld [tilespmem:s22+$0xFFFFFFB0];
	v16 =	vsub.f32 v23, v0;
	v22 =	vpop (erf)  }
0xe9: {  	v13 =	vmul.f32 $1.442695020e+00, v13;
	(erf) = vpow2.f32 v21;
	v21 =	vld [tilespmem:s21+$0x0];
	v23 =	vsub.f32 v26, v0;
	[tilespmem:s17+$0x0] =	vst v22;
	v26 =	vpop (erf)  }
0xea: {  	v20 =	vmul.f32 $1.442695020e+00, v20;
	v12 =	vsub.f32 v12, v1;
	v27 =	vld [tilespmem:s20+$0x10];
	v16 =	vmul.f32 $1.442695020e+00, v16;
	[tilespmem:s16+$0x10] =	vst v26;
	v28 =	vpop (erf)  }
0xeb: {  	(erf) = vpow2.f32 v13;
	v13 =	vmul.f32 $1.442695020e+00, v23;
	v23 =	vld [tilespmem:s23+$0x20];
	[tilespmem:s15+$0x20] =	vst v28;
	v15 =	vadd.f32 v28, v15;
	v28 =	vpop (erf)  }
0xec: {  	v14 =	vadd.f32 v26, v14;
	v12 =	vmul.f32 $1.442695020e+00, v12;
	v24 =	vsub.f32 v24, v1;
	v26 =	vld [tilespmem:s26+$0x30];
	[tilespmem:s15+$0x60] =	vst v28;
	v29 =	vpop (erf)  }
0xed: {  	v25 =	vsub.f32 v25, v1;
	(erf) = vpow2.f32 v13;
	[tilespmem:s16+$0x50] =	vst v17;
	v13 =	vld [tilespmem:s26+$0x70];
	v2 =	vadd.f32 v29, v2;
	v30 =	vpop (erf);
	s26 =	smov.u32 s23;
	s23 =	smov.u32 s20;
	s20 =	smov.u32 s21  }
0xee: {  	v19 =	vsub.f32 v19, v1;
	s21 =	smov.u32 s22;
	s22 =	smov.u32 s24;
	s24 =	smov.u32 s28;
	v24 =	vmul.f32 $1.442695020e+00, v24;
	(erf) = vpow2.f32 v16;
	v31 =	vld [tilespmem:s26+$0x60];
	[tilespmem:s14+$0x30] =	vst v29  }
0xef: {  	v25 =	vmul.f32 $1.442695020e+00, v25;
	(erf) = vpow2.f32 v20;
	[tilespmem:s14+$0x70] =	vst v30;
	v2 =	vadd.f32 v30, v2;
	s14 =	smov.u32 s15;
	s15 =	smov.u32 s16;
	s16 =	smov.u32 s17  }
0xf0: {  	v19 =	vmul.f32 $1.442695020e+00, v19;
	v20 =	vsub.f32 v21, v0;
	s17 =	smov.u32 s18;
	s18 =	smov.u32 s19;
	s19 =	smov.u32 s25;
	(erf) = vpow2.f32 v24  }
0xf1: {  	s28 =	smov.u32 s31;
	s25 =	smov.u32 s29;
	v24 =	vsub.f32 v27, v0;
	v27 =	vsub.f32 v23, v0;
	(erf) = vpow2.f32 v12;
	v12 =	vpop (erf)  }
.Ltmp3:
0xf2: {  	v16 =	vpop (erf);
	[tilespmem:s19+$0xFFFFFFE0] =	vst v12;
	(erf) = vpow2.f32 v25;
	v25 =	vsub.f32 v26, v0;
	v21 =	vsub.f32 v13, v0;
	(pc) =	sbr.rel @p0 .LBB2_4-.Ltmp3, $4  }
0xf3: {  	s29 =	sadd.s32 $0x100, s29;
	v30 =	vmul.f32 $1.442695020e+00, v20;
	[tilespmem:s25+$0xFFFFFFD0] =	vst v16;
	(erf) = vpow2.f32 v19;
	v29 =	vsub.f32 v31, v0  }
0xf4: {  	v15 =	vadd.f32 v28, v15;
	v24 =	vmul.f32 $1.442695020e+00, v24;
	v27 =	vmul.f32 $1.442695020e+00, v27;
	v13 =	vpop (erf);
	v23 =	vld [tilespmem:s24+$0xFFFFFFE0]  }
0xf5: {  	v14 =	vadd.f32 v17, v14;
	v26 =	vmul.f32 $1.442695020e+00, v25;
	[tilespmem:s29+$0xFFFFFFC0] =	vst v13;
	v20 =	vld [tilespmem:s22+$0xFFFFFFF0];
	(erf) = vpow2.f32 v30  }
0xf6: {  	v22 =	vadd.f32 v22, v18;
	s31 =	sadd.s32 $0x100, s31;
	v28 =	vmul.f32 $1.442695020e+00, v29;
	v25 =	vld [tilespmem:s28+$0xFFFFFFD0];
	v19 =	vpop (erf);
	(erf) = vpow2.f32 v24  }
0xf7: {  	v24 =	vpop (erf)  }
0xf8: {  	[tilespmem:$0x1FF40] =	vst v24;
	v17 =	vpop (erf)  }
0xf9: {  	[tilespmem:$0x1FF50] =	vst v17  }
0xfa: {  	(erf) = vpow2.f32 v27;
	[tilespmem:s18+$0xFFFFFFF0] =	vst v17  }
0xfb: {  	(erf) = vpow2.f32 v28;
	[tilespmem:s17+$0x40] =	vst v19;
	v17 =	vld [tilespmem:s21+$0x40]  }
0xfc: {  	v21 =	vmul.f32 $1.442695020e+00, v21;
	v23 =	vsub.f32 v23, v1;
	v32 =	vpop (erf);
	(erf) = vpow2.f32 v26;
	v18 =	vld [tilespmem:s20+$0x50];
	_ =	sdelay $0x1  }
0xfd: {  	v27 =	vsub.f32 v25, v1;
	v23 =	vmul.f32 $1.442695020e+00, v23;
	v25 =	vpop (erf);
	(erf) = vpow2.f32 v21  }
0xfe: {  	v34 =	vpop (erf)  }
0xff: {  	[tilespmem:$0x1FF60] =	vst v25;
	v21 =	vmul.f32 $1.442695020e+00, v27;
	(erf) = vpow2.f32 v23;
	v33 =	vpop (erf);
	v17 =	vsub.f32 v17, v0  }
0x100: {  	[tilespmem:s29+$0xFFFFFF80] =	vst v25;
	v31 =	vpop (erf);
	v18 =	vsub.f32 v18, v0  }
0x101: {  	v20 =	vsub.f32 v20, v1;
	v23 =	vld [tilespmem:s28+$0xFFFFFF90];
	(erf) = vpow2.f32 v21;
	v35 =	vpop (erf);
	v17 =	vmul.f32 $1.442695020e+00, v17  }
0x102: {  	[tilespmem:s25+$0xFFFFFF90] =	vst v32;
	v37 =	vpop (erf);
	v18 =	vmul.f32 $1.442695020e+00, v18  }
0x103: {  	v20 =	vmul.f32 $1.442695020e+00, v20;
	[tilespmem:s19+$0xFFFFFFA0] =	vst v34;
	v36 =	vpop (erf);
	(erf) = vpow2.f32 v17  }
0x104: {  	[tilespmem:s18+$0xFFFFFFB0] =	vst v33;
	v21 =	vpop (erf);
	v17 =	vld [tilespmem:s24+$0xFFFFFFA0];
	(erf) = vpow2.f32 v18  }
0x105: {  	(erf) = vpow2.f32 v20;
	v20 =	vld [tilespmem:s22+$0xFFFFFFB0];
	[tilespmem:$0x1FF70] =	vst v21  }
0x106: {  	v18 =	vsub.f32 v23, v1;
	v23 =	vpop (erf);
	[tilespmem:s17+$0x0] =	vst v31  }
0x107: {  	v21 =	vld [tilespmem:s21+$0x0];
	[tilespmem:$0x1FF90] =	vst v23  }
0x108: {  	v25 =	vpop (erf);
	[tilespmem:s16+$0x10] =	vst v35  }
0x109: {  	v23 =	vld [tilespmem:s20+$0x10];
	[tilespmem:$0x1FFC0] =	vst v25  }
0x10a: {  	v27 =	vpop (erf);
	[tilespmem:s16+$0x50] =	vst v24  }
0x10b: {  	v18 =	vmul.f32 $1.442695020e+00, v18;
	v38 =	vld [tilespmem:s23+$0x20];
	[tilespmem:$0x1FF80] =	vst v27  }
0x10c: {  	[tilespmem:s15+$0x20] =	vst v37;
	v24 =	vpop (erf)  }
0x10d: {  	(erf) = vpow2.f32 v18;
	v17 =	vsub.f32 v17, v1;
	v18 =	vld [tilespmem:s23+$0x60];
	[tilespmem:$0x1FFF0] =	vst v24  }
0x10e: {  	v20 =	vsub.f32 v20, v1;
	v26 =	vpop (erf);
	v39 =	vld [tilespmem:s26+$0x30];
	[tilespmem:s15+$0x60] =	vst v36  }
0x10f: {  	v17 =	vmul.f32 $1.442695020e+00, v17;
	v21 =	vsub.f32 v21, v0;
	[tilespmem:$0x1FFD0] =	vst v26  }
0x110: {  	v20 =	vmul.f32 $1.442695020e+00, v20;
	v23 =	vsub.f32 v23, v0;
	v40 =	vld [tilespmem:s26+$0x70];
	[tilespmem:s29+$0xFFFFFFD0] =	vst v27;
	v27 =	vpop (erf)  }
0x111: {  	(erf) = vpow2.f32 v17;
	v17 =	vmul.f32 $1.442695020e+00, v21;
	v38 =	vsub.f32 v38, v0;
	[tilespmem:$0x1FFE0] =	vst v27  }
0x112: {  	(erf) = vpow2.f32 v20;
	v20 =	vmul.f32 $1.442695020e+00, v23;
	v18 =	vsub.f32 v18, v0;
	v41 =	vld [tilespmem:s28+$0xFFFFFFE0];
	[tilespmem:s19+$0xFFFFFFF0] =	vst v27  }
0x113: {  	(erf) = vpow2.f32 v17;
	v38 =	vmul.f32 $1.442695020e+00, v38;
	[tilespmem:s18+$0x40] =	vst v24;
	v21 =	vld [tilespmem:s22+$0x40];
	v39 =	vsub.f32 v39, v0  }
0x114: {  	(erf) = vpow2.f32 v20;
	[tilespmem:s25+$0xFFFFFFE0] =	vst v25;
	v23 =	vld [tilespmem:s21+$0x50];
	v18 =	vmul.f32 $1.442695020e+00, v18  }
0x115: {  	v42 =	vld [tilespmem:s24+$0xFFFFFFF0];
	(erf) = vpow2.f32 v38;
	v17 =	vsub.f32 v40, v0;
	v20 =	vmul.f32 $1.442695020e+00, v39  }
0x116: {  	(erf) = vpow2.f32 v18  }
0x117: {  	v48 =	vpop (erf);
	v62 =	vsub.f32 v41, v1;
	v17 =	vmul.f32 $1.442695020e+00, v17;
	(erf) = vpow2.f32 v20  }
0x118: {  	[tilespmem:s29+$0xFFFFFF90] =	vst v48;
	v18 =	vsub.f32 v21, v0  }
0x119: {  	v21 =	vld [tilespmem:s28+$0xFFFFFFA0];
	v23 =	vsub.f32 v23, v0;
	v20 =	vmul.f32 $1.442695020e+00, v62;
	(erf) = vpow2.f32 v17  }
0x11a: {  	v45 =	vpop (erf);
	v17 =	vsub.f32 v42, v1;
	v18 =	vmul.f32 $1.442695020e+00, v18  }
0x11b: {  	v44 =	vpop (erf);
	(erf) = vpow2.f32 v20;
	v20 =	vmul.f32 $1.442695020e+00, v23  }
0x11c: {  	v41 =	vpop (erf);
	v17 =	vmul.f32 $1.442695020e+00, v17;
	(erf) = vpow2.f32 v18  }
0x11d: {  	v46 =	vpop (erf);
	(erf) = vpow2.f32 v20  }
0x11e: {  	v49 =	vpop (erf);
	v18 =	vsub.f32 v21, v1;
	(erf) = vpow2.f32 v17  }
0x11f: {  	[tilespmem:s25+$0xFFFFFFA0] =	vst v45;
	v47 =	vpop (erf)  }
0x120: {  	[tilespmem:s19+$0xFFFFFFB0] =	vst v44;
	v17 =	vmul.f32 $1.442695020e+00, v18;
	v20 =	vpop (erf)  }
0x121: {  	v18 =	vld [tilespmem:s24+$0xFFFFFFB0];
	[tilespmem:$0x1FFA0] =	vst v20  }
0x122: {  	(erf) = vpow2.f32 v17;
	[tilespmem:s18+$0x0] =	vst v41;
	v20 =	vpop (erf)  }
0x123: {  	v17 =	vld [tilespmem:s22+$0x0];
	[tilespmem:$0x1FFB0] =	vst v20  }
0x124: {  	v20 =	vld [tilespmem:s21+$0x10];
	[tilespmem:s17+$0x10] =	vst v46;
	v39 =	vpop (erf)  }
0x125: {  	[tilespmem:s17+$0x50] =	vst v26;
	v21 =	vld [tilespmem:s20+$0x20];
	v40 =	vpop (erf)  }
0x126: {  	[tilespmem:s16+$0x20] =	vst v49;
	v23 =	vld [tilespmem:s20+$0x60];
	v42 =	vpop (erf)  }
0x127: {  	[tilespmem:s16+$0x60] =	vst v47;
	v18 =	vsub.f32 v18, v1;
	v63 =	vld [tilespmem:s23+$0x30];
	v43 =	vpop (erf)  }
0x128: {  	v50 =	vld [tilespmem:s23+$0x70];
	v17 =	vsub.f32 v17, v0;
	[tilespmem:s25+$0xFFFFFFF0] =	vst v43  }
0x129: {  	v18 =	vmul.f32 $1.442695020e+00, v18;
	[tilespmem:s19+$0x40] =	vst v40;
	v20 =	vsub.f32 v20, v0;
	v51 =	vld [tilespmem:s24+$0x40]  }
0x12a: {  	[tilespmem:s29+$0xFFFFFFE0] =	vst v39;
	v53 =	vld [tilespmem:s22+$0x50];
	v17 =	vmul.f32 $1.442695020e+00, v17;
	v21 =	vsub.f32 v21, v0  }
0x12b: {  	(erf) = vpow2.f32 v18;
	v18 =	vsub.f32 v23, v0;
	v23 =	vld [tilespmem:s28+$0xFFFFFFF0];
	v52 =	vpop (erf);
	v20 =	vmul.f32 $1.442695020e+00, v20  }
0x12c: {  	v38 =	vsub.f32 v63, v0;
	(erf) = vpow2.f32 v17;
	[tilespmem:s29+$0xFFFFFFA0] =	vst v52;
	v21 =	vmul.f32 $1.442695020e+00, v21  }
0x12d: {  	v17 =	vsub.f32 v50, v0;
	v18 =	vmul.f32 $1.442695020e+00, v18;
	(erf) = vpow2.f32 v20;
	v20 =	vld [tilespmem:s28+$0xFFFFFFB0]  }
0x12e: {  	v38 =	vmul.f32 $1.442695020e+00, v38;
	(erf) = vpow2.f32 v21;
	v21 =	vsub.f32 v51, v0  }
0x12f: {  	v17 =	vmul.f32 $1.442695020e+00, v17;
	(erf) = vpow2.f32 v18;
	v18 =	vsub.f32 v53, v0  }
0x130: {  	v23 =	vsub.f32 v23, v1;
	(erf) = vpow2.f32 v38;
	v21 =	vmul.f32 $1.442695020e+00, v21  }
0x131: {  	(erf) = vpow2.f32 v17;
	v17 =	vmul.f32 $1.442695020e+00, v18  }
0x132: {  	v18 =	vmul.f32 $1.442695020e+00, v23;
	(erf) = vpow2.f32 v21;
	v1 =	vsub.f32 v20, v1  }
0x133: {  	(erf) = vpow2.f32 v17  }
0x134: {  	v57 =	vpop (erf);
	(erf) = vpow2.f32 v18;
	v1 =	vmul.f32 $1.442695020e+00, v1  }
0x135: {  	v56 =	vpop (erf)  }
0x136: {  	v58 =	vpop (erf);
	(erf) = vpow2.f32 v1  }
0x137: {  	v60 =	vpop (erf)  }
0x138: {  	[tilespmem:s25+$0xFFFFFFB0] =	vst v57;
	v59 =	vpop (erf)  }
0x139: {  	[tilespmem:s19+$0x0] =	vst v56;
	v1 =	vld [tilespmem:s24+$0x0];
	v30 =	vpop (erf)  }
0x13a: {  	v17 =	vld [tilespmem:s22+$0x10];
	[tilespmem:s18+$0x10] =	vst v58;
	v38 =	vpop (erf)  }
0x13b: {  	[tilespmem:s18+$0x50] =	vst v42;
	v18 =	vld [tilespmem:s21+$0x20];
	v51 =	vpop (erf)  }
0x13c: {  	v20 =	vld [tilespmem:s21+$0x60];
	[tilespmem:s17+$0x20] =	vst v60;
	v53 =	vpop (erf)  }
0x13d: {  	v21 =	vld [tilespmem:s20+$0x30];
	[tilespmem:s17+$0x60] =	vst v59;
	v50 =	vpop (erf)  }
0x13e: {  	v54 =	vld [tilespmem:s20+$0x70];
	v1 =	vsub.f32 v1, v0;
	[tilespmem:s29+$0xFFFFFFF0] =	vst v50  }
0x13f: {  	v17 =	vsub.f32 v17, v0;
	[tilespmem:s25+$0x40] =	vst v51;
	v55 =	vld [tilespmem:s28+$0x40];
	v61 =	vpop (erf)  }
0x140: {  	v18 =	vsub.f32 v18, v0;
	v1 =	vmul.f32 $1.442695020e+00, v1;
	v62 =	vld [tilespmem:s24+$0x50];
	[tilespmem:s29+$0xFFFFFFB0] =	vst v61  }
0x141: {  	v20 =	vsub.f32 v20, v0;
	v17 =	vmul.f32 $1.442695020e+00, v17;
	v63 =	vld [tilespmem:s28+$0x0]  }
0x142: {  	(erf) = vpow2.f32 v1;
	v1 =	vsub.f32 v21, v0;
	v18 =	vmul.f32 $1.442695020e+00, v18  }
0x143: {  	v20 =	vmul.f32 $1.442695020e+00, v20;
	(erf) = vpow2.f32 v17;
	v17 =	vsub.f32 v54, v0  }
0x144: {  	(erf) = vpow2.f32 v18;
	v1 =	vmul.f32 $1.442695020e+00, v1;
	v18 =	vsub.f32 v55, v0  }
0x145: {  	(erf) = vpow2.f32 v20;
	v17 =	vmul.f32 $1.442695020e+00, v17;
	v20 =	vsub.f32 v62, v0  }
0x146: {  	(erf) = vpow2.f32 v1;
	v1 =	vmul.f32 $1.442695020e+00, v18;
	v18 =	vsub.f32 v63, v0  }
0x147: {  	(erf) = vpow2.f32 v17;
	v17 =	vmul.f32 $1.442695020e+00, v20  }
0x148: {  	(erf) = vpow2.f32 v1;
	v1 =	vmul.f32 $1.442695020e+00, v18  }
0x149: {  	(erf) = vpow2.f32 v17  }
0x14a: {  	(erf) = vpow2.f32 v1  }
0x14b: {  	v63 =	vpop (erf)  }
0x14c: {  	v26 =	vpop (erf)  }
0x14d: {  	v25 =	vpop (erf)  }
0x14e: {  	[tilespmem:s25+$0x0] =	vst v63;
	v27 =	vpop (erf)  }
0x14f: {  	[tilespmem:s19+$0x10] =	vst v26;
	v21 =	vld [tilespmem:s24+$0x10];
	v54 =	vpop (erf)  }
0x150: {  	[tilespmem:s19+$0x50] =	vst v53;
	v23 =	vld [tilespmem:s22+$0x20];
	v55 =	vpop (erf)  }
0x151: {  	v20 =	vld [tilespmem:s22+$0x60];
	[tilespmem:s18+$0x20] =	vst v25;
	v62 =	vpop (erf)  }
0x152: {  	[tilespmem:s18+$0x60] =	vst v27;
	v1 =	vld [tilespmem:s21+$0x30];
	v29 =	vpop (erf)  }
0x153: {  	v17 =	vld [tilespmem:s21+$0x70];
	[tilespmem:s29+$0x40] =	vst v62;
	v28 =	vpop (erf)  }
0x154: {  	v21 =	vsub.f32 v21, v0;
	v18 =	vld [tilespmem:s28+$0x50];
	[tilespmem:s29+$0x0] =	vst v28  }
0x155: {  	v23 =	vsub.f32 v23, v0;
	v24 =	vld [tilespmem:s28+$0x10]  }
0x156: {  	v20 =	vsub.f32 v20, v0;
	v21 =	vmul.f32 $1.442695020e+00, v21  }
0x157: {  	v1 =	vsub.f32 v1, v0;
	v23 =	vmul.f32 $1.442695020e+00, v23  }
0x158: {  	v20 =	vmul.f32 $1.442695020e+00, v20;
	v17 =	vsub.f32 v17, v0;
	(erf) = vpow2.f32 v21  }
0x159: {  	v1 =	vmul.f32 $1.442695020e+00, v1;
	(erf) = vpow2.f32 v23;
	v18 =	vsub.f32 v18, v0  }
0x15a: {  	v17 =	vmul.f32 $1.442695020e+00, v17;
	(erf) = vpow2.f32 v20;
	v20 =	vsub.f32 v24, v0  }
0x15b: {  	(erf) = vpow2.f32 v1;
	v1 =	vmul.f32 $1.442695020e+00, v18  }
0x15c: {  	(erf) = vpow2.f32 v17;
	v17 =	vmul.f32 $1.442695020e+00, v20  }
0x15d: {  	(erf) = vpow2.f32 v1  }
0x15e: {  	(erf) = vpow2.f32 v17;
	_ =	sdelay $0x2  }
0x15f: {  	v10 =	vadd.f32 v4, v10;
	v4 =	vadd.f32 v32, v8;
	v1 =	vpop (erf)  }
0x160: {  	v6 =	vadd.f32 v6, v9;
	v9 =	vpop (erf)  }
0x161: {  	[tilespmem:s25+$0x50] =	vst v29;
	v8 =	vpop (erf)  }
0x162: {  	v6 =	vadd.f32 v3, v6;
	[tilespmem:s25+$0x10] =	vst v1;
	v3 =	vpop (erf)  }
0x163: {  	v5 =	vadd.f32 v5, v11;
	v11 =	vadd.f32 v16, v4;
	[tilespmem:s19+$0x20] =	vst v9;
	v4 =	vpop (erf)  }
0x164: {  	v7 =	vadd.f32 v7, v22;
	v17 =	vld [tilespmem:s24+$0x60];
	[tilespmem:s19+$0x60] =	vst v8;
	v18 =	vpop (erf)  }
0x165: {  	v22 =	vld [tilespmem:$0x1FF40];
	v21 =	vpop (erf)  }
0x166: {  	v7 =	vadd.f32 v31, v7;
	v16 =	vld [tilespmem:s24+$0x20];
	[tilespmem:s29+$0x10] =	vst v21  }
0x167: {  	v23 =	vld [tilespmem:$0x1FF50];
	[tilespmem:s29+$0x50] =	vst v18  }
0x168: {  	v14 =	vadd.f32 v35, v14;
	v7 =	vadd.f32 v19, v7;
	v19 =	vld [tilespmem:$0x1FF60]  }
0x169: {  	v10 =	vadd.f32 v34, v10;
	v20 =	vld [tilespmem:s22+$0x30]  }
0x16a: {  	v14 =	vadd.f32 v22, v14;
	v22 =	vld [tilespmem:s22+$0x70]  }
0x16b: {  	v10 =	vadd.f32 v12, v10;
	v12 =	vld [tilespmem:s28+$0x20]  }
0x16c: {  	v16 =	vsub.f32 v16, v0  }
0x16d: {  	v17 =	vsub.f32 v17, v0;
	v6 =	vadd.f32 v19, v6;
	v19 =	vld [tilespmem:s28+$0x60]  }
0x16e: {  	v15 =	vadd.f32 v37, v15;
	v20 =	vsub.f32 v20, v0;
	v16 =	vmul.f32 $1.442695020e+00, v16  }
0x16f: {  	v17 =	vmul.f32 $1.442695020e+00, v17;
	v6 =	vadd.f32 v13, v6;
	v13 =	vsub.f32 v22, v0  }
0x170: {  	(erf) = vpow2.f32 v16;
	v16 =	vmul.f32 $1.442695020e+00, v20;
	v12 =	vsub.f32 v12, v0  }
0x171: {  	v15 =	vadd.f32 v36, v15;
	(erf) = vpow2.f32 v17;
	v13 =	vmul.f32 $1.442695020e+00, v13  }
0x172: {  	(erf) = vpow2.f32 v16;
	v12 =	vmul.f32 $1.442695020e+00, v12;
	v16 =	vsub.f32 v19, v0  }
0x173: {  	(erf) = vpow2.f32 v13  }
0x174: {  	v13 =	vadd.f32 v49, v15;
	(erf) = vpow2.f32 v12;
	v12 =	vmul.f32 $1.442695020e+00, v16;
	_ =	sdelay $0x1  }
0x175: {  	(erf) = vpow2.f32 v12;
	v12 =	vadd.f32 v47, v13;
	v13 =	vld [tilespmem:$0x1FFC0];
	_ =	sdelay $0x2  }
0x176: {  	v10 =	vadd.f32 v45, v10;
	v36 =	vld [tilespmem:$0x1FF70]  }
0x177: {  	v37 =	vld [tilespmem:$0x1FF90]  }
0x178: {  	v10 =	vadd.f32 v13, v10;
	v13 =	vld [tilespmem:$0x1FFD0];
	_ =	sdelay $0x1  }
0x179: {  	v11 =	vadd.f32 v48, v11;
	v48 =	vld [tilespmem:$0x1FFA0]  }
0x17a: {  	v14 =	vadd.f32 v46, v14;
	v2 =	vadd.f32 v36, v2;
	v49 =	vld [tilespmem:$0x1FFB0]  }
0x17b: {  	v5 =	vadd.f32 v33, v5;
	v15 =	vld [tilespmem:$0x1FFF0]  }
0x17c: {  	v2 =	vadd.f32 v37, v2;
	v13 =	vadd.f32 v13, v14;
	v14 =	vld [tilespmem:$0x1FFE0]  }
0x17d: {  	v17 =	vld [tilespmem:$0x1FF80];
	v5 =	vadd.f32 v23, v5  }
0x17e: {  	v2 =	vadd.f32 v48, v2  }
0x17f: {  	v7 =	vadd.f32 v41, v7;
	v5 =	vadd.f32 v44, v5  }
0x180: {  	v2 =	vadd.f32 v49, v2  }
0x181: {  	v7 =	vadd.f32 v15, v7;
	v5 =	vadd.f32 v14, v5;
	v14 =	vpop (erf)  }
0x182: {  	v11 =	vadd.f32 v17, v11;
	v12 =	vadd.f32 v60, v12;
	[tilespmem:s25+$0x20] =	vst v14;
	v15 =	vpop (erf)  }
0x183: {  	v2 =	vadd.f32 v30, v2;
	v7 =	vadd.f32 v56, v7;
	v16 =	vld [tilespmem:s24+$0x30];
	v17 =	vpop (erf)  }
0x184: {  	v6 =	vadd.f32 v11, v6;
	v12 =	vadd.f32 v59, v12;
	[tilespmem:s25+$0x60] =	vst v15;
	v19 =	vpop (erf)  }
0x185: {  	v2 =	vadd.f32 v38, v2;
	v7 =	vadd.f32 v40, v7;
	v20 =	vld [tilespmem:s24+$0x70];
	v22 =	vpop (erf)  }
0x186: {  	v12 =	vadd.f32 v25, v12;
	v10 =	vadd.f32 v52, v10;
	[tilespmem:s29+$0x20] =	vst v22  }
0x187: {  	v2 =	vadd.f32 v54, v2;
	v13 =	vadd.f32 v58, v13;
	v23 =	vpop (erf);
	v24 =	vld [tilespmem:s28+$0x30]  }
0x188: {  	v12 =	vadd.f32 v27, v12;
	[tilespmem:s29+$0x60] =	vst v23;
	v16 =	vsub.f32 v16, v0  }
0x189: {  	v7 =	vadd.f32 v63, v7;
	v13 =	vadd.f32 v42, v13;
	v31 =	vld [tilespmem:s28+$0x70]  }
0x18a: {  	v2 =	vadd.f32 v55, v2;
	v20 =	vsub.f32 v20, v0;
	v16 =	vmul.f32 $1.442695020e+00, v16  }
0x18b: {  	v9 =	vadd.f32 v9, v12;
	v13 =	vadd.f32 v26, v13  }
0x18c: {  	v20 =	vmul.f32 $1.442695020e+00, v20;
	(erf) = vpow2.f32 v16;
	v16 =	vsub.f32 v24, v0  }
0x18d: {  	v2 =	vadd.f32 v3, v2;
	v13 =	vadd.f32 v53, v13  }
0x18e: {  	(erf) = vpow2.f32 v20;
	v0 =	vsub.f32 v31, v0;
	v16 =	vmul.f32 $1.442695020e+00, v16  }
0x18f: {  	v2 =	vadd.f32 v4, v2;
	v5 =	vadd.f32 v57, v5  }
0x190: {  	v1 =	vadd.f32 v1, v13;
	v0 =	vmul.f32 $1.442695020e+00, v0;
	(erf) = vpow2.f32 v16  }
0x191: {  	v8 =	vadd.f32 v8, v9;
	v2 =	vadd.f32 v17, v2  }
0x192: {  	v5 =	vadd.f32 v43, v5;
	v1 =	vadd.f32 v29, v1;
	(erf) = vpow2.f32 v0  }
0x193: {  	v0 =	vadd.f32 v51, v7;
	v7 =	vadd.f32 v14, v8  }
0x194: {  	v2 =	vadd.f32 v19, v2;
	v5 =	vadd.f32 v61, v5  }
0x195: {  	v1 =	vadd.f32 v21, v1;
	v7 =	vadd.f32 v15, v7;
	v8 =	vpop (erf)  }
0x196: {  	v0 =	vadd.f32 v28, v0;
	v2 =	vadd.f32 v8, v2  }
0x197: {  	v1 =	vadd.f32 v18, v1;
	v7 =	vadd.f32 v22, v7;
	v9 =	vpop (erf)  }
0x198: {  	v0 =	vadd.f32 v62, v0;
	v2 =	vadd.f32 v9, v2  }
0x199: {  	v10 =	vadd.f32 v39, v10;
	v7 =	vadd.f32 v23, v7;
	v12 =	vpop (erf)  }
0x19a: {  	v0 =	vadd.f32 v1, v0;
	v2 =	vadd.f32 v12, v2  }
0x19b: {  	[tilespmem:s14+$0x30] =	vst v36;
	v6 =	vadd.f32 v10, v6;
	v1 =	vadd.f32 v50, v5;
	v5 =	vpop (erf)  }
0x19c: {  	[tilespmem:s14+$0x70] =	vst v37;
	v0 =	vadd.f32 v7, v0;
	v2 =	vadd.f32 v5, v2  }
0x19d: {  	[tilespmem:s15+$0x30] =	vst v48;
	v1 =	vadd.f32 v1, v6  }
0x19e: {  	[tilespmem:s15+$0x70] =	vst v49;
	v0 =	vadd.f32 v2, v0  }
0x19f: {  	[tilespmem:s16+$0x30] =	vst v30;
	(xrf2) =	vadd.scan.msk.f32 $0xffff, v1  }
0x1a0: {  	[tilespmem:s16+$0x70] =	vst v38;
	(xrf2) =	vadd.scan.msk.f32 $0xffff, v0  }
0x1a1: {  	[tilespmem:s17+$0x30] =	vst v54  }
0x1a2: {  	[tilespmem:s17+$0x70] =	vst v55  }
0x1a3: {  	[tilespmem:s18+$0x30] =	vst v3  }
0x1a4: {  	[tilespmem:s18+$0x70] =	vst v4  }
0x1a5: {  	[tilespmem:s19+$0x30] =	vst v17  }
0x1a6: {  	[tilespmem:s19+$0x70] =	vst v19  }
0x1a7: {  	[tilespmem:s25+$0x30] =	vst v8  }
0x1a8: {  	[tilespmem:s25+$0x70] =	vst v9  }
0x1a9: {  	[tilespmem:s29+$0x30] =	vst v12;
	v0, _, _ =	vpop (xrf2)  }
0x1aa: {  	[tilespmem:s29+$0x70] =	vst v5;
	v1, _, _ =	vpop (xrf2)  }
0x1ab: {  	_ =	swait.ge [sflag:s11], $0x2000  }
0x1ac: {  	[sflag:s11] =	ssyncset.done $0x0  }
0x1ad: {  	s31 =	simm.s32 $0x2080;
	[sflag:s11] =	ssyncadd.s32 $0xFFFFE000  }
0x1ae: {  	v14 =	vld [tilespmem:s31+$0x40]  }
0x1af: {  	v9 =	vld [tilespmem:s31+$0xFFFFFFB0]  }
0x1b0: {  	v15 =	vld [tilespmem:s31+$0x0]  }
0x1b1: {  	v17 =	vld [tilespmem:s31+$0x10]  }
0x1b2: {  	s14 =	simm.s32 $0x4080;
	v6 =	vld [tilespmem:s31+$0x50]  }
0x1b3: {  	v5 =	vld [tilespmem:s14+$0xFFFFFFC0]  }
0x1b4: {  	v2 =	vld [tilespmem:s31+$0x20]  }
0x1b5: {  	v8 =	vld [tilespmem:s14+$0x50]  }
0x1b6: {  	v13 =	vld [tilespmem:s31+$0xFFFFFFC0]  }
0x1b7: {  	v3 =	vld [tilespmem:s14+$0x60]  }
0x1b8: {  	v16 =	vld [tilespmem:s31+$0x60]  }
0x1b9: {  	v24 =	vld [tilespmem:s31+$0x30]  }
0x1ba: {  	v12 =	vbroadcast v1, $0xF;
	v23 =	vld [tilespmem:s14+$0x30]  }
0x1bb: {  	v10 =	vbroadcast v0, $0xF;
	v27 =	vld [tilespmem:s31+$0xFFFFFFA0]  }
0x1bc: {  	v32 =	vimm.f32 $0.0e+00;
	v35 =	vimm.f32 $0.0e+00;
	v11 =	vld [tilespmem:s14+$0x40];
	v26 =	vmul.f32 v14, v12  }
0x1bd: {  	v41 =	vimm.f32 $0.0e+00;
	v63 =	vld [tilespmem:s14+$0xFFFFFFB0];
	v18 =	vmul.f32 v13, v10;
	v22 =	vmul.f32 v6, v12  }
0x1be: {  	v44 =	vimm.f32 $0.0e+00;
	v7 =	vld [tilespmem:s14+$0x10];
	v19 =	vmul.f32 v2, v12;
	v28 =	vmul.f32 v16, v12  }
0x1bf: {  	v25 =	vimm.f32 $0.0e+00;
	v20 =	vld [tilespmem:s14+$0x0];
	v31 =	vmul.f32 v24, v12;
	v61 =	vmul.f32 v9, v10  }
0x1c0: {  	v21 =	vld [tilespmem:s14+$0xFFFFFFA0];
	v62 =	vmul.f32 v27, v10;
	vm0 =	vgt.f32 v5, v18;
	vm2 =	vgt.f32 v8, v22  }
0x1c1: {  	v4 =	vld [tilespmem:s31+$0xFFFFFFE0];
	vm1 =	vgt.f32 v3, v28;
	v22 =	vmul.f32 v17, v12;
	v28 =	vmul.f32 v15, v12  }
0x1c2: {  	v29 =	vld [tilespmem:s14+$0xFFFFFFE0];
	vm9 =	vgt.f32 v23, v31;
	vm4 =	vgt.f32 v11, v26;
	vm8 =	vgt.f32 v63, v61  }
0x1c3: {  	v34 =	vld [tilespmem:s31+$0xFFFFFF90];
	v31 =	vimm.f32 $0.0e+00;
	v18 =	vnsel vm0, $0x0, v13;
	v13 =	vnsel vm2, $0x0, v6  }
0x1c4: {  	v39 =	vld [tilespmem:s31+$0xFFFFFF80];
	v6 =	vnsel vm1, $0x0, v16;
	v50 =	vnsel vm9, $0x0, v23;
	v37 =	vnsel vm4, $0x0, v14  }
0x1c5: {  	v47 =	vld [tilespmem:s14+$0xFFFFFF80];
	v52 =	vnsel vm8, $0x0, v63;
	v38 =	vnsel vm9, $0x0, v24;
	v14 =	vimm.f32 $0.0e+00  }
0x1c6: {  	v43 =	vld [tilespmem:s14+$0xFFFFFF90];
	v24 =	vimm.f32 $0.0e+00;
	vm3 =	vgt.f32 v20, v28;
	vm5 =	vgt.f32 v7, v22  }
0x1c7: {  	v16 =	vld [tilespmem:s31+$0x70];
	v28 =	vmul.f32 v4, v10;
	v20 =	vnsel vm3, $0x0, v20;
	v30 =	vnsel vm3, $0x0, v15  }
0x1c8: {  	v45 =	vld [tilespmem:s14+$0xFFFFFFF0];
	vm3 =	vgt.f32 v21, v62;
	v40 =	vnsel vm5, $0x0, v17;
	v17 =	vimm.f32 $0.0e+00  }
0x1c9: {  	v46 =	vld [tilespmem:s14+$0x70];
	v22 =	vadd.f32 v20, v25;
	v15 =	vnsel vm3, $0x0, v21;
	v48 =	vnsel vm3, $0x0, v27  }
0x1ca: {  	v42 =	vld [tilespmem:s31+$0xFFFFFFD0];
	vm3 =	vgt.f32 v29, v28;
	v20 =	vmul.f32 v39, v10;
	v28 =	vimm.f32 $0.0e+00  }
0x1cb: {  	v26 =	vld [tilespmem:s31+$0xFFFFFFF0];
	v27 =	vimm.f32 $0.0e+00;
	v36 =	vadd.f32 v15, v25;
	v15 =	vmul.f32 v34, v10  }
0x1cc: {  	v51 =	vld [tilespmem:s14+$0x20];
	v21 =	vimm.f32 $0.0e+00;
	vm7 =	vgt.f32 v47, v20;
	v49 =	vmul.f32 v16, v12  }
0x1cd: {  	s15 =	simm.s32 $0x0;
	s16 =	simm.s32 $0x2180;
	v23 =	vld [tilespmem:s14+$0xFFFFFFD0];
	v20 =	vimm.f32 $0.0e+00;
	vm6 =	vgt.f32 v43, v15;
	v15 =	vimm.f32 $0.0e+00  }
.LBB2_6:
0x1ce: {  	v33 =	vld [tilespmem:s16+$0x40];
	s15 =	sadd.s32 $0x80, s15;
	v25 =	vadd.f32 v52, v25;
	v52 =	vnsel vm8, $0x0, v9;
	v20 =	vadd.f32 v38, v20;
	s14 =	sadd.s32 $0x100, s14  }
0x1cf: {  	v47 =	vnsel vm7, $0x0, v47;
	v39 =	vnsel vm7, $0x0, v39;
	v29 =	vnsel vm3, $0x0, v29;
	v9 =	vld [tilespmem:s16+$0xFFFFFFB0];
	p0 =	slt.u32 s15, $0xF80  }
0x1d0: {  	v32 =	vadd.f32 v50, v32;
	v50 =	vmul.f32 v26, v10;
	v44 =	vadd.f32 v52, v44;
	v53 =	vld [tilespmem:s16+$0x0]  }
0x1d1: {  	v34 =	vnsel vm6, $0x0, v34;
	v41 =	vadd.f32 v48, v41;
	v48 =	vnsel vm5, $0x0, v7;
	v38 =	vld [tilespmem:s16+$0x10]  }
0x1d2: {  	v43 =	vnsel vm6, $0x0, v43;
	v14 =	vadd.f32 v30, v14;
	v17 =	vadd.f32 v40, v17;
	v7 =	vld [tilespmem:s14+$0x10]  }
0x1d3: {  	v31 =	vadd.f32 v39, v31;
	v39 =	vmul.f32 v42, v10;
	v30 =	vld [tilespmem:s14+$0x0];
	v40 =	vmul.f32 v33, v12  }
0x1d4: {  	v35 =	vadd.f32 v47, v35;
	vm6 =	vgt.f32 v45, v50;
	vm5 =	vgt.f32 v51, v19;
	v52 =	vld [tilespmem:s16+$0x50]  }
0x1d5: {  	v14 =	vadd.f32 v37, v14;
	vm7 =	vgt.f32 v46, v49;
	v19 =	vnsel vm6, $0x0, v45;
	v54 =	vld [tilespmem:s14+$0xFFFFFFA0]  }
0x1d6: {  	v28 =	vadd.f32 v34, v28;
	v27 =	vadd.f32 v48, v27;
	v34 =	vnsel vm7, $0x0, v46;
	v37 =	vld [tilespmem:s14+$0xFFFFFFC0]  }
0x1d7: {  	v26 =	vnsel vm6, $0x0, v26;
	v16 =	vnsel vm7, $0x0, v16;
	v32 =	vadd.f32 v34, v32;
	v45 =	vld [tilespmem:s16+$0x20]  }
0x1d8: {  	v46 =	vnsel vm5, $0x0, v51;
	v47 =	vnsel vm5, $0x0, v2;
	vm5 =	vgt.f32 v23, v39;
	v34 =	vld [tilespmem:s14+$0x50]  }
0x1d9: {  	v17 =	vadd.f32 v13, v17;
	v49 =	vnsel vm1, $0x0, v3;
	v20 =	vadd.f32 v16, v20;
	v48 =	vld [tilespmem:s16+$0xFFFFFFC0]  }
0x1da: {  	v36 =	vadd.f32 v29, v36;
	v31 =	vadd.f32 v18, v31;
	v18 =	vnsel vm2, $0x0, v8;
	v3 =	vld [tilespmem:s14+$0x60]  }
0x1db: {  	v11 =	vnsel vm4, $0x0, v11;
	v25 =	vadd.f32 v19, v25;
	v29 =	vnsel vm5, $0x0, v42;
	v16 =	vld [tilespmem:s16+$0x60]  }
0x1dc: {  	v13 =	vnsel vm0, $0x0, v5;
	v27 =	vadd.f32 v18, v27;
	v28 =	vadd.f32 v29, v28;
	v5 =	vmovc v37;
	v55 =	vld [tilespmem:s16+$0x30];
	v2 =	vmovc v45  }
0x1dd: {  	v22 =	vadd.f32 v11, v22;
	v35 =	vadd.f32 v13, v35;
	v13 =	vnsel vm3, $0x0, v4;
	v4 =	vld [tilespmem:s16+$0xFFFFFFE0];
	v8 =	vmovc v34  }
0x1de: {  	v15 =	vadd.f32 v47, v15;
	v19 =	vmul.f32 v2, v12;
	v37 =	vld [tilespmem:s14+$0x30];
	v18 =	vmul.f32 v48, v10  }
0x1df: {  	v24 =	vadd.f32 v43, v24;
	v41 =	vadd.f32 v13, v41;
	v23 =	vnsel vm5, $0x0, v23;
	v29 =	vld [tilespmem:s14+$0xFFFFFFE0]  }
0x1e0: {  	v15 =	vadd.f32 v6, v15;
	v13 =	vmul.f32 v52, v12;
	v11 =	vld [tilespmem:s14+$0x40];
	v39 =	vmul.f32 v16, v12  }
0x1e1: {  	v44 =	vadd.f32 v26, v44;
	vm0 =	vgt.f32 v5, v18;
	v42 =	vld [tilespmem:s16+$0xFFFFFFA0];
	v43 =	vmul.f32 v55, v12  }
0x1e2: {  	v21 =	vadd.f32 v46, v21;
	vm2 =	vgt.f32 v8, v13;
	v34 =	vld [tilespmem:s16+$0xFFFFFF90];
	vm1 =	vgt.f32 v3, v39  }
0x1e3: {  	v26 =	vmul.f32 v38, v12;
	v13 =	vnsel vm2, $0x0, v52;
	v18 =	vnsel vm0, $0x0, v48;
	v39 =	vld [tilespmem:s16+$0xFFFFFF80]  }
0x1e4: {  	v24 =	vadd.f32 v23, v24;
	v45 =	vmul.f32 v53, v12;
	v6 =	vnsel vm1, $0x0, v16;
	v16 =	vld [tilespmem:s16+$0x70]  }
0x1e5: {  	v46 =	vmul.f32 v9, v10;
	v21 =	vadd.f32 v49, v21;
	vm5 =	vgt.f32 v7, v26;
	v26 =	vld [tilespmem:s16+$0xFFFFFFF0]  }
0x1e6: {  	vm3 =	vgt.f32 v30, v45;
	v45 =	vmul.f32 v4, v10;
	v23 =	vmul.f32 v42, v10;
	v51 =	vld [tilespmem:s14+$0xFFFFFFB0]  }
0x1e7: {  	v48 =	vnsel vm3, $0x0, v30;
	v30 =	vnsel vm3, $0x0, v53;
	vm9 =	vgt.f32 v37, v43;
	v47 =	vld [tilespmem:s14+$0xFFFFFF80]  }
0x1e8: {  	v22 =	vadd.f32 v48, v22;
	v50 =	vnsel vm9, $0x0, v37;
	v43 =	vld [tilespmem:s14+$0xFFFFFF90];
	vm3 =	vgt.f32 v54, v23  }
.Ltmp4:
0x1e9: {  	v37 =	vnsel vm3, $0x0, v54;
	v48 =	vnsel vm3, $0x0, v42;
	v23 =	vld [tilespmem:s14+$0xFFFFFFD0];
	vm3 =	vgt.f32 v29, v45;
	(pc) =	sbr.rel @p0 .LBB2_6-.Ltmp4, $4  }
0x1ea: {  	vm4 =	vgt.f32 v11, v40;
	v42 =	vmul.f32 v39, v10;
	v36 =	vadd.f32 v37, v36;
	v45 =	vld [tilespmem:s14+$0xFFFFFFF0]  }
0x1eb: {  	v52 =	vmul.f32 v34, v10;
	v37 =	vnsel vm4, $0x0, v33;
	vm8 =	vgt.f32 v51, v46;
	v46 =	vld [tilespmem:s14+$0x70]  }
0x1ec: {  	v40 =	vnsel vm5, $0x0, v38;
	v49 =	vmul.f32 v16, v12;
	vm7 =	vgt.f32 v47, v42;
	v42 =	vld [tilespmem:s16+$0xFFFFFFD0]  }
0x1ed: {  	v38 =	vnsel vm9, $0x0, v55;
	s16 =	sadd.s32 $0x100, s16;
	vm6 =	vgt.f32 v43, v52;
	v52 =	vnsel vm8, $0x0, v51;
	v51 =	vld [tilespmem:s14+$0x20]  }
0x1ee: {  	v12 =	vadd.f32 v52, v25;
	v9 =	vnsel vm8, $0x0, v9  }
0x1ef: {  	v25 =	vnsel vm7, $0x0, v47;
	v33 =	vnsel vm7, $0x0, v39;
	v29 =	vnsel vm3, $0x0, v29  }
0x1f0: {  	v32 =	vadd.f32 v50, v32;
	v63 =	vmul.f32 v26, v10;
	v34 =	vnsel vm6, $0x0, v34  }
0x1f1: {  	v41 =	vadd.f32 v48, v41;
	v7 =	vnsel vm5, $0x0, v7;
	v43 =	vnsel vm6, $0x0, v43  }
0x1f2: {  	v8 =	vnsel vm2, $0x0, v8;
	v5 =	vnsel vm0, $0x0, v5;
	v9 =	vadd.f32 v9, v44  }
0x1f3: {  	v11 =	vnsel vm4, $0x0, v11;
	v31 =	vadd.f32 v33, v31;
	v25 =	vadd.f32 v25, v35  }
0x1f4: {  	v4 =	vnsel vm3, $0x0, v4;
	v7 =	vadd.f32 v7, v27;
	v24 =	vadd.f32 v43, v24  }
0x1f5: {  	v11 =	vadd.f32 v11, v22;
	vm13 =	vgt.f32 v46, v49;
	vm14 =	vgt.f32 v45, v63  }
0x1f6: {  	v4 =	vadd.f32 v4, v41;
	v10 =	vmul.f32 v42, v10;
	v44 =	vnsel vm14, $0x0, v45  }
0x1f7: {  	v7 =	vadd.f32 v8, v7;
	v5 =	vadd.f32 v5, v25;
	vm12 =	vgt.f32 v51, v19  }
0x1f8: {  	v19 =	vadd.f32 v34, v28;
	v28 =	vnsel vm13, $0x0, v46;
	vm15 =	vgt.f32 v23, v10  }
0x1f9: {  	v12 =	vadd.f32 v44, v12;
	v27 =	vadd.f32 v28, v32;
	v8 =	vnsel vm15, $0x0, v23  }
0x1fa: {  	v28 =	vnsel vm12, $0x0, v51;
	v10 =	vadd.f32 v18, v31;
	v8 =	vadd.f32 v8, v24  }
0x1fb: {  	v18 =	vadd.f32 v29, v36;
	v29 =	vnsel vm15, $0x0, v42;
	v21 =	vadd.f32 v28, v21  }
0x1fc: {  	v3 =	vnsel vm1, $0x0, v3;
	v19 =	vadd.f32 v29, v19;
	v5 =	vadd.f32 v8, v5  }
0x1fd: {  	v7 =	vadd.f32 v7, v11;
	v3 =	vadd.f32 v3, v21  }
0x1fe: {  	v8 =	vnsel vm14, $0x0, v26;
	v10 =	vadd.f32 v19, v10;
	v5 =	vadd.f32 v18, v5  }
0x1ff: {  	v8 =	vadd.f32 v8, v9;
	v3 =	vadd.f32 v3, v7  }
0x200: {  	v4 =	vadd.f32 v4, v10;
	v5 =	vadd.f32 v12, v5  }
0x201: {  	v3 =	vadd.f32 v27, v3  }
0x202: {  	v4 =	vadd.f32 v8, v4;
	(xrf2) =	vadd.scan.msk.f32 $0xffff, v5  }
0x203: {  	(xrf2) =	vadd.scan.msk.f32 $0xffff, v3  }
0x204: {  	(xrf2) =	vadd.scan.msk.f32 $0xffff, v4;
	_ =	sdelay $0x1  }
0x205: {  	v2 =	vnsel vm12, $0x0, v2;
	v3 =	vadd.f32 v30, v14;
	v4 =	vadd.f32 v40, v17  }
0x206: {  	v2 =	vadd.f32 v2, v15  }
0x207: {  	v3 =	vadd.f32 v37, v3;
	v4 =	vadd.f32 v13, v4  }
0x208: {  	(v2sf) =	vpush v0, $0xF;
	v2 =	vadd.f32 v6, v2  }
0x209: {  	v5 =	vadd.f32 v38, v20;
	v3 =	vadd.f32 v4, v3  }
0x20a: {  	(v2sf) =	vpush v1, $0xF;
	v7 =	vnsel vm13, $0x0, v16  }
0x20b: {  	v4 =	vadd.f32 v7, v5;
	v1 =	vadd.f32 v2, v3;
	v0, _, _ =	vpop (xrf2)  }
0x20c: {  	v2, _, _ =	vpop (xrf2);
	(v2sf) =	vpush v0, $0xF  }
0x20d: {  	v1 =	vadd.f32 v4, v1;
	(v2sf) =	vpush v2, $0xF;
	v0, _, _ =	vpop (xrf2)  }
0x20e: {  	(v2sf) =	vpush v0, $0xF  }
0x20f: {  	(xrf2) =	vadd.scan.msk.f32 $0xffff, v1;
	_ =	sdelay $0x9  }
0x210: {  	s17 =	spop (v2sf);
	v0, _, _ =	vpop (xrf2)  }
0x211: {  	s14 =	spop (v2sf);
	(v2sf) =	vpush v0, $0xF  }
0x212: {  	s19 =	spop (v2sf)  }
0x213: {  	s15 =	spop (v2sf)  }
0x214: {  	s18 =	spop (v2sf)  }
0x215: {  	s16 =	ssub.f32 $1.000000000e+00, s18;
	_ =	sdelay $0x1  }
0x216: {  	s16 =	smax.f32 s16, $1.000000000e-30  }
0x217: {  	v0 =	vmov s16  }
0x218: {  	(erf) = vrcp.f32 v0;
	_ =	sdelay $0x6  }
0x219: {  	s20 =	ssub.f32 s17, s19;
	s16 =	spop (v2sf)  }
0x21a: {  	s21 =	ssub.f32 $1.000000000e+00, s16  }
0x21b: {  	s20 =	smax.f32 s20, $0.0e+00;
	v0 =	vpop (erf)  }
0x21c: {  	s30 =	smax.f32 s21, $1.000000000e-30;
	v2 =	vmul.f32 s20, v0  }
0x21d: {  	v0 =	vmov s30  }
0x21e: {  	(erf) = vrcp.f32 v0;
	v0 =	vmax.f32 v2, $1.000000000e-30  }
0x21f: {  	(erf) = vrcp.f32 v0;
	_ =	sdelay $0x3  }
0x220: {  	s24 =	simm.s32 $0x4080  }
0x221: {  	v1 =	vld [tilespmem:s24+$0xFFFFFFC0]  }
0x222: {  	s25 =	simm.s32 $0x2080;
	v6 =	vld [tilespmem:s24+$0xFFFFFF80]  }
0x223: {  	v4 =	vld [tilespmem:s25+$0xFFFFFFC0]  }
0x224: {  	v0 =	vpop (erf)  }
0x225: {  	v7 =	vld [tilespmem:s25+$0xFFFFFF80];
	v3 =	vpop (erf)  }
0x226: {  	v5 =	vmul.f32 v1, v3;
	_ =	sdelay $0x1  }
0x227: {  	s20 =	simm.s32 $0x6080;
	v8 =	vmul.f32 v6, v3;
	v5 =	vmin.f32 v4, v5  }
0x228: {  	[tilespmem:s20+$0xFFFFFFC0] =	vst v5  }
0x229: {  	v8 =	vmin.f32 v7, v8;
	v5 =	vld [tilespmem:s24+$0xFFFFFFD0]  }
0x22a: {  	[tilespmem:s20+$0xFFFFFF80] =	vst v8;
	v9 =	vld [tilespmem:s25+$0xFFFFFFD0]  }
0x22b: {  	v10 =	vld [tilespmem:s24+$0xFFFFFF90];
	_ =	sdelay $0x1  }
0x22c: {  	v11 =	vld [tilespmem:s25+$0xFFFFFF90]  }
0x22d: {  	v8 =	vmul.f32 v5, v3;
	_ =	sdelay $0x1  }
0x22e: {  	v12 =	vmul.f32 v10, v3;
	v8 =	vmin.f32 v9, v8  }
0x22f: {  	[tilespmem:s20+$0xFFFFFFD0] =	vst v8  }
0x230: {  	v12 =	vmin.f32 v11, v12;
	v8 =	vld [tilespmem:s24+$0xFFFFFFE0]  }
0x231: {  	s31 =	ssub.f32 s14, s15;
	[tilespmem:s20+$0xFFFFFF90] =	vst v12;
	v13 =	vld [tilespmem:s25+$0xFFFFFFE0]  }
0x232: {  	v14 =	vld [tilespmem:s24+$0xFFFFFFA0]  }
0x233: {  	s21 =	smax.f32 s31, $0.0e+00;
	v18 =	vmul.f32 v7, v2  }
0x234: {  	v16 =	vmul.f32 v4, v2;
	v0 =	vmul.f32 s21, v0;
	v15 =	vld [tilespmem:s25+$0xFFFFFFA0]  }
0x235: {  	v25 =	vimm.f32 $0.0e+00;
	vm1 =	vgt.f32 v6, v18;
	v12 =	vmul.f32 v8, v3  }
0x236: {  	vm0 =	vgt.f32 v1, v16;
	v17 =	vmax.f32 v0, $1.000000000e-30;
	v6 =	vnsel vm1, $0x0, v6  }
0x237: {  	(erf) = vrcp.f32 v17;
	v19 =	vmul.f32 v14, v3;
	v12 =	vmin.f32 v13, v12  }
0x238: {  	v17 =	vnsel vm0, $0x0, v4;
	v4 =	vadd.f32 v6, v25;
	v6 =	vmul.f32 v11, v2;
	[tilespmem:s20+$0xFFFFFFE0] =	vst v12  }
0x239: {  	v1 =	vnsel vm0, $0x0, v1;
	v16 =	vmin.f32 v15, v19;
	v12 =	vld [tilespmem:s24+$0xFFFFFFF0]  }
0x23a: {  	v23 =	vadd.f32 v1, v4;
	vm0 =	vgt.f32 v10, v6;
	v1 =	vmul.f32 v15, v2;
	[tilespmem:s20+$0xFFFFFFA0] =	vst v16;
	v20 =	vld [tilespmem:s25+$0xFFFFFFF0]  }
0x23b: {  	v7 =	vnsel vm1, $0x0, v7;
	v10 =	vnsel vm0, $0x0, v10;
	v18 =	vld [tilespmem:s24+$0xFFFFFFB0]  }
0x23c: {  	v11 =	vnsel vm0, $0x0, v11;
	v19 =	vmul.f32 v13, v2;
	vm0 =	vgt.f32 v14, v1;
	v21 =	vld [tilespmem:s25+$0xFFFFFFB0]  }
0x23d: {  	v7 =	vadd.f32 v7, v25;
	v10 =	vadd.f32 v10, v25;
	v14 =	vnsel vm0, $0x0, v14  }
0x23e: {  	s23 =	simm.s32 $0x2180;
	v15 =	vnsel vm0, $0x0, v15;
	vm1 =	vgt.f32 v8, v19;
	v16 =	vmul.f32 v12, v3  }
0x23f: {  	v27 =	vld [tilespmem:s23+$0xFFFFFFC0];
	v14 =	vadd.f32 v14, v25;
	v4 =	vnsel vm1, $0x0, v13;
	v13 =	vmul.f32 v20, v2  }
0x240: {  	s22 =	simm.s32 $0x4180;
	v6 =	vnsel vm1, $0x0, v8;
	v8 =	vmul.f32 v18, v3;
	v16 =	vmin.f32 v20, v16  }
0x241: {  	vm0 =	vgt.f32 v12, v13;
	v13 =	vadd.f32 v15, v25;
	v15 =	vld [tilespmem:s22+$0xFFFFFFC0];
	[tilespmem:s20+$0xFFFFFFF0] =	vst v16;
	v16 =	vmul.f32 v21, v2  }
0x242: {  	v22 =	vmul.f32 v9, v2;
	v11 =	vadd.f32 v11, v25;
	v6 =	vadd.f32 v6, v14  }
0x243: {  	v8 =	vmin.f32 v21, v8;
	v26 =	vadd.f32 v4, v13;
	v13 =	vld [tilespmem:s22+$0xFFFFFF80];
	vm1 =	vgt.f32 v18, v16  }
0x244: {  	v14 =	vmul.f32 v27, v2;
	v20 =	vnsel vm0, $0x0, v20;
	[tilespmem:s20+$0xFFFFFFB0] =	vst v8;
	v16 =	vnsel vm1, $0x0, v18;
	v18 =	vld [tilespmem:s23+$0xFFFFFF80]  }
0x245: {  	v4 =	vnsel vm1, $0x0, v21;
	vm1 =	vgt.f32 v5, v22;
	v21 =	vld [tilespmem:s24+$0x0];
	v16 =	vadd.f32 v16, v25  }
0x246: {  	v19 =	vld [tilespmem:s24+$0x40];
	v8 =	vadd.f32 v4, v25;
	v4 =	vnsel vm0, $0x0, v12;
	v12 =	vmul.f32 v15, v3  }
0x247: {  	v22 =	vld [tilespmem:s25+$0x0];
	v5 =	vnsel vm1, $0x0, v5;
	v9 =	vnsel vm1, $0x0, v9;
	vm0 =	vgt.f32 v15, v14  }
0x248: {  	s21 =	simm.s32 $0x6180;
	v4 =	vadd.f32 v4, v16;
	v16 =	vmul.f32 v13, v3;
	v12 =	vmin.f32 v27, v12  }
0x249: {  	v1 =	vpop (erf);
	v10 =	vadd.f32 v5, v10;
	v5 =	vld [tilespmem:s25+$0x40];
	v9 =	vadd.f32 v9, v11;
	[tilespmem:s21+$0xFFFFFFC0] =	vst v12;
	v11 =	vmul.f32 v18, v2  }
0x24a: {  	v28 =	vnsel vm0, $0x0, v15;
	v12 =	vmin.f32 v18, v16;
	v14 =	vld [tilespmem:s22+$0xFFFFFFD0];
	v29 =	vmul.f32 v21, v1  }
0x24b: {  	v24 =	vmul.f32 v19, v1;
	v15 =	vld [tilespmem:s23+$0xFFFFFFD0];
	[tilespmem:s21+$0xFFFFFF80] =	vst v12;
	v12 =	vadd.f32 v17, v7;
	vm1 =	vgt.f32 v13, v11  }
0x24c: {  	v11 =	vld [tilespmem:s22+$0xFFFFFF90];
	v17 =	vmin.f32 v22, v29;
	v7 =	vnsel vm1, $0x0, v13;
	v13 =	vmul.f32 v22, v0  }
0x24d: {  	v16 =	vadd.f32 v20, v8;
	v8 =	vnsel vm0, $0x0, v27;
	v27 =	vld [tilespmem:s23+$0xFFFFFF90];
	[tilespmem:s20+$0x0] =	vst v17;
	v20 =	vadd.f32 v7, v23  }
0x24e: {  	v7 =	vmul.f32 v5, v0;
	v23 =	vmin.f32 v5, v24;
	v24 =	vld [tilespmem:s25+$0x10];
	vm0 =	vgt.f32 v21, v13  }
0x24f: {  	v17 =	vmul.f32 v14, v3;
	v13 =	vld [tilespmem:s24+$0x10];
	v21 =	vnsel vm0, $0x0, v21  }
0x250: {  	[tilespmem:s20+$0x40] =	vst v23;
	v22 =	vnsel vm0, $0x0, v22;
	vm0 =	vgt.f32 v19, v7;
	v20 =	vadd.f32 v28, v20  }
0x251: {  	v29 =	vld [tilespmem:s24+$0x50];
	v7 =	vmul.f32 v11, v3;
	v17 =	vmin.f32 v15, v17;
	v21 =	vadd.f32 v21, v25  }
0x252: {  	v30 =	vld [tilespmem:s25+$0x50];
	v19 =	vnsel vm0, $0x0, v19;
	v31 =	vmul.f32 v27, v2;
	[tilespmem:s21+$0xFFFFFFD0] =	vst v17;
	v17 =	vadd.f32 v22, v25  }
0x253: {  	v22 =	vnsel vm0, $0x0, v5;
	v7 =	vmin.f32 v27, v7;
	v45 =	vld [tilespmem:s22+$0xFFFFFFE0];
	v5 =	vadd.f32 v19, v21  }
0x254: {  	v19 =	vld [tilespmem:s23+$0xFFFFFFE0];
	vm0 =	vgt.f32 v11, v31;
	v28 =	vmul.f32 v24, v0;
	[tilespmem:s21+$0xFFFFFF90] =	vst v7;
	v46 =	vmul.f32 v13, v1  }
0x255: {  	v7 =	vadd.f32 v22, v17;
	v21 =	vnsel vm0, $0x0, v11;
	v22 =	vnsel vm0, $0x0, v27;
	v17 =	vld [tilespmem:s22+$0xFFFFFFA0]  }
0x256: {  	v31 =	vmul.f32 v29, v1;
	vm0 =	vgt.f32 v13, v28;
	v11 =	vmin.f32 v24, v46  }
0x257: {  	v18 =	vnsel vm1, $0x0, v18;
	v27 =	vld [tilespmem:s23+$0xFFFFFFA0];
	v13 =	vnsel vm0, $0x0, v13;
	v24 =	vnsel vm0, $0x0, v24;
	[tilespmem:s20+$0x10] =	vst v11  }
0x258: {  	v11 =	vmul.f32 v30, v0;
	v31 =	vmin.f32 v30, v31;
	v28 =	vmul.f32 v45, v3;
	v47 =	vld [tilespmem:s24+$0x20]  }
0x259: {  	v13 =	vadd.f32 v13, v25;
	v24 =	vadd.f32 v24, v25;
	v48 =	vld [tilespmem:s25+$0x20];
	[tilespmem:s20+$0x50] =	vst v31;
	v31 =	vmul.f32 v19, v2  }
0x25a: {  	vm0 =	vgt.f32 v29, v11;
	v49 =	vld [tilespmem:s24+$0x60];
	v11 =	vmul.f32 v17, v3;
	v28 =	vmin.f32 v19, v28  }
0x25b: {  	v50 =	vld [tilespmem:s25+$0x60];
	v29 =	vnsel vm0, $0x0, v29;
	v30 =	vnsel vm0, $0x0, v30;
	vm0 =	vgt.f32 v45, v31;
	[tilespmem:s21+$0xFFFFFFE0] =	vst v28  }
0x25c: {  	v51 =	vmin.f32 v27, v11;
	v28 =	vld [tilespmem:s22+$0xFFFFFFF0];
	v11 =	vadd.f32 v30, v24;
	v24 =	vmul.f32 v27, v2  }
0x25d: {  	v13 =	vadd.f32 v29, v13;
	v29 =	vnsel vm0, $0x0, v45;
	v30 =	vmul.f32 v47, v1  }
0x25e: {  	v35 =	vnsel vm0, $0x0, v19;
	v52 =	vld [tilespmem:s23+$0xFFFFFFF0];
	[tilespmem:s21+$0xFFFFFFA0] =	vst v51;
	v19 =	vmul.f32 v48, v0;
	vm1 =	vgt.f32 v17, v24  }
0x25f: {  	v34 =	vld [tilespmem:s22+$0xFFFFFFB0];
	v24 =	vmin.f32 v48, v30;
	v30 =	vmul.f32 v49, v1;
	v31 =	vnsel vm1, $0x0, v17  }
0x260: {  	v32 =	vld [tilespmem:s23+$0xFFFFFFB0];
	vm0 =	vgt.f32 v47, v19;
	v17 =	vmul.f32 v50, v0;
	v27 =	vnsel vm1, $0x0, v27;
	[tilespmem:s20+$0x20] =	vst v24  }
0x261: {  	v24 =	vnsel vm0, $0x0, v47;
	v19 =	vmul.f32 v28, v3;
	v53 =	vld [tilespmem:s25+$0x30];
	v30 =	vmin.f32 v50, v30  }
0x262: {  	v23 =	vmul.f32 v15, v2;
	v41 =	vadd.f32 v27, v26;
	v33 =	vadd.f32 v24, v25;
	v54 =	vld [tilespmem:s24+$0x30];
	[tilespmem:s20+$0x60] =	vst v30  }
0x263: {  	v24 =	vnsel vm0, $0x0, v48;
	vm0 =	vgt.f32 v49, v17;
	v19 =	vmin.f32 v52, v19;
	v30 =	vld [tilespmem:s25+$0x70]  }
0x264: {  	v56 =	vmul.f32 v52, v2;
	v55 =	vadd.f32 v24, v25;
	v17 =	vmul.f32 v34, v3;
	v36 =	vld [tilespmem:s24+$0x70];
	[tilespmem:s21+$0xFFFFFFF0] =	vst v19  }
0x265: {  	v57 =	vnsel vm0, $0x0, v50;
	v59 =	vmul.f32 v32, v2;
	v19 =	vnsel vm0, $0x0, v49;
	v24 =	vld [tilespmem:s22+$0x40]  }
0x266: {  	vm0 =	vgt.f32 v28, v56;
	v58 =	vmin.f32 v32, v17;
	v60 =	vmul.f32 v53, v0  }
0x267: {  	v19 =	vadd.f32 v19, v33;
	v17 =	vadd.f32 v57, v55;
	v61 =	vmul.f32 v54, v1  }
0x268: {  	v37 =	vnsel vm0, $0x0, v52;
	vm1 =	vgt.f32 v34, v59;
	vm2 =	vgt.f32 v54, v60  }
0x269: {  	v63 =	vmul.f32 v36, v1;
	v40 =	vmul.f32 v30, v0;
	v27 =	vmin.f32 v53, v61  }
0x26a: {  	v26 =	vnsel vm2, $0x0, v54;
	v62 =	vnsel vm2, $0x0, v53;
	v33 =	vmul.f32 v24, v1  }
0x26b: {  	s26 =	simm.s32 $0x4280;
	s25 =	simm.s32 $0x80;
	s24 =	simm.s32 $0x2180;
	[tilespmem:s21+$0xFFFFFFB0] =	vst v58;
	v38 =	vadd.f32 v26, v25;
	v39 =	vadd.f32 v62, v25;
	v26 =	vmin.f32 v30, v63  }
.LBB2_8:
0x26c: {  	v42 =	vld [tilespmem:s26+$0xFFFFFFC0];
	s25 =	sadd.s32 $0x80, s25;
	v34 =	vnsel vm1, $0x0, v34;
	v25 =	vadd.f32 v35, v41;
	s23 =	sadd.s32 $0x100, s23;
	[tilespmem:s20+$0x30] =	vst v27;
	vm2 =	vgt.f32 v36, v40  }
0x26d: {  	v27 =	vnsel vm1, $0x0, v32;
	v35 =	vld [tilespmem:s23+$0xFFFFFFC0];
	p0 =	slt.u32 s25, $0xF80;
	[tilespmem:s20+$0x70] =	vst v26;
	v32 =	vnsel vm2, $0x0, v36;
	v26 =	vnsel vm2, $0x0, v30;
	s20 =	smov.u32 s21  }
0x26e: {  	vm1 =	vgt.f32 v14, v23;
	v4 =	vadd.f32 v34, v4;
	v30 =	vld [tilespmem:s26+$0xFFFFFF80];
	v26 =	vadd.f32 v26, v39  }
0x26f: {  	v6 =	vadd.f32 v31, v6;
	v23 =	vnsel vm0, $0x0, v28;
	v16 =	vadd.f32 v27, v16  }
0x270: {  	v14 =	vnsel vm1, $0x0, v14;
	v15 =	vnsel vm1, $0x0, v15;
	v4 =	vadd.f32 v23, v4;
	v28 =	vld [tilespmem:s23+$0xFFFFFF80]  }
0x271: {  	v6 =	vadd.f32 v29, v6;
	v27 =	vadd.f32 v32, v38;
	v23 =	vmul.f32 v42, v3;
	v31 =	vld [tilespmem:s22+$0x0]  }
0x272: {  	v10 =	vadd.f32 v21, v10;
	v9 =	vadd.f32 v22, v9;
	v29 =	vmul.f32 v35, v2  }
0x273: {  	v12 =	vadd.f32 v18, v12;
	s21 =	sadd.s32 $0x100, s21;
	v21 =	vmul.f32 v30, v3;
	v22 =	vmin.f32 v35, v23;
	v23 =	vld [tilespmem:s24+$0x0]  }
0x274: {  	v10 =	vadd.f32 v14, v10;
	v9 =	vadd.f32 v15, v9;
	vm0 =	vgt.f32 v42, v29;
	[tilespmem:s21+$0xFFFFFFC0] =	vst v22;
	v22 =	vld [tilespmem:s24+$0x40]  }
0x275: {  	v18 =	vmul.f32 v28, v2;
	v15 =	vmin.f32 v28, v21;
	v21 =	vnsel vm0, $0x0, v42;
	v14 =	vld [tilespmem:s26+$0xFFFFFFD0]  }
0x276: {  	v12 =	vadd.f32 v8, v12;
	v16 =	vadd.f32 v37, v16;
	[tilespmem:s21+$0xFFFFFF80] =	vst v15;
	v15 =	vld [tilespmem:s23+$0xFFFFFFD0];
	v29 =	vmul.f32 v31, v1  }
0x277: {  	v8 =	vnsel vm0, $0x0, v35;
	vm1 =	vgt.f32 v30, v18;
	v32 =	vld [tilespmem:s26+$0xFFFFFF90]  }
0x278: {  	v18 =	vnsel vm1, $0x0, v30;
	v30 =	vmul.f32 v23, v0;
	v29 =	vmin.f32 v23, v29  }
0x279: {  	v20 =	vadd.f32 v18, v20;
	v18 =	vnsel vm1, $0x0, v28;
	v28 =	vld [tilespmem:s23+$0xFFFFFF90];
	[tilespmem:s20+$0x0] =	vst v29;
	v29 =	vmul.f32 v22, v0  }
0x27a: {  	v33 =	vmin.f32 v22, v33;
	v34 =	vmul.f32 v14, v3;
	vm0 =	vgt.f32 v31, v30;
	v30 =	vld [tilespmem:s22+$0x10]  }
0x27b: {  	v31 =	vnsel vm0, $0x0, v31;
	v23 =	vnsel vm0, $0x0, v23;
	v35 =	vld [tilespmem:s24+$0x10];
	vm0 =	vgt.f32 v24, v29;
	[tilespmem:s20+$0x40] =	vst v33  }
0x27c: {  	v29 =	vmul.f32 v32, v3;
	v33 =	vmin.f32 v15, v34;
	v5 =	vadd.f32 v31, v5;
	v31 =	vld [tilespmem:s22+$0x50]  }
0x27d: {  	v7 =	vadd.f32 v23, v7;
	v23 =	vnsel vm0, $0x0, v24;
	v22 =	vnsel vm0, $0x0, v22;
	[tilespmem:s21+$0xFFFFFFD0] =	vst v33;
	v24 =	vld [tilespmem:s24+$0x50]  }
0x27e: {  	v33 =	vmul.f32 v28, v2;
	v29 =	vmin.f32 v28, v29;
	v36 =	vld [tilespmem:s26+$0xFFFFFFE0];
	v5 =	vadd.f32 v23, v5  }
0x27f: {  	v23 =	vmul.f32 v15, v2;
	v7 =	vadd.f32 v22, v7;
	[tilespmem:s21+$0xFFFFFF90] =	vst v29;
	v37 =	vld [tilespmem:s23+$0xFFFFFFE0];
	v29 =	vmul.f32 v30, v1  }
0x280: {  	v20 =	vadd.f32 v21, v20;
	vm0 =	vgt.f32 v32, v33;
	v33 =	vld [tilespmem:s26+$0xFFFFFFA0];
	v34 =	vmul.f32 v35, v0  }
0x281: {  	v21 =	vnsel vm0, $0x0, v32;
	v29 =	vmin.f32 v35, v29;
	v32 =	vmul.f32 v31, v1  }
0x282: {  	v22 =	vnsel vm0, $0x0, v28;
	v38 =	vld [tilespmem:s23+$0xFFFFFFA0];
	vm0 =	vgt.f32 v30, v34;
	[tilespmem:s20+$0x10] =	vst v29;
	v28 =	vmul.f32 v24, v0  }
0x283: {  	v29 =	vmul.f32 v36, v3;
	v30 =	vnsel vm0, $0x0, v30;
	v39 =	vld [tilespmem:s22+$0x20];
	v32 =	vmin.f32 v24, v32  }
0x284: {  	v13 =	vadd.f32 v30, v13;
	v30 =	vnsel vm0, $0x0, v35;
	v40 =	vld [tilespmem:s24+$0x20];
	vm0 =	vgt.f32 v31, v28;
	[tilespmem:s20+$0x50] =	vst v32  }
0x285: {  	v28 =	vmul.f32 v33, v3;
	v29 =	vmin.f32 v37, v29;
	v11 =	vadd.f32 v30, v11;
	v41 =	vld [tilespmem:s22+$0x60]  }
0x286: {  	v30 =	vmul.f32 v37, v2;
	v24 =	vnsel vm0, $0x0, v24;
	[tilespmem:s21+$0xFFFFFFE0] =	vst v29;
	v29 =	vnsel vm0, $0x0, v31;
	v42 =	vld [tilespmem:s24+$0x60]  }
0x287: {  	v31 =	vmin.f32 v38, v28;
	v28 =	vld [tilespmem:s26+$0xFFFFFFF0];
	v13 =	vadd.f32 v29, v13;
	v11 =	vadd.f32 v24, v11  }
0x288: {  	v24 =	vmul.f32 v38, v2;
	vm0 =	vgt.f32 v36, v30;
	[tilespmem:s21+$0xFFFFFFA0] =	vst v31;
	v43 =	vld [tilespmem:s23+$0xFFFFFFF0];
	v30 =	vmul.f32 v39, v1  }
0x289: {  	v29 =	vnsel vm0, $0x0, v36;
	v35 =	vnsel vm0, $0x0, v37;
	v34 =	vld [tilespmem:s26+$0xFFFFFFB0];
	v36 =	vmul.f32 v40, v0  }
0x28a: {  	vm1 =	vgt.f32 v33, v24;
	v24 =	vmin.f32 v40, v30;
	v30 =	vmul.f32 v41, v1  }
0x28b: {  	v31 =	vnsel vm1, $0x0, v33;
	v32 =	vld [tilespmem:s23+$0xFFFFFFB0];
	vm0 =	vgt.f32 v39, v36;
	[tilespmem:s20+$0x20] =	vst v24;
	v24 =	vmul.f32 v42, v0  }
0x28c: {  	v33 =	vmul.f32 v28, v3;
	v36 =	vnsel vm0, $0x0, v39;
	v39 =	vld [tilespmem:s24+$0x30];
	v30 =	vmin.f32 v42, v30  }
0x28d: {  	v19 =	vadd.f32 v36, v19;
	v36 =	vnsel vm0, $0x0, v40;
	v40 =	vld [tilespmem:s22+$0x30];
	vm0 =	vgt.f32 v41, v24;
	[tilespmem:s20+$0x60] =	vst v30  }
0x28e: {  	v24 =	vmul.f32 v34, v3;
	v33 =	vmin.f32 v43, v33;
	v17 =	vadd.f32 v36, v17;
	v30 =	vld [tilespmem:s24+$0x70];
	s24 =	smov.u32 s23  }
0x28f: {  	v37 =	vmul.f32 v43, v2;
	[tilespmem:s21+$0xFFFFFFF0] =	vst v33;
	v33 =	vnsel vm0, $0x0, v41;
	v41 =	vnsel vm0, $0x0, v42;
	v36 =	vld [tilespmem:s22+$0x70];
	s22 =	smov.u32 s26  }
0x290: {  	v42 =	vmin.f32 v32, v24;
	v24 =	vld [tilespmem:s26+$0x40];
	v19 =	vadd.f32 v33, v19;
	v17 =	vadd.f32 v41, v17  }
0x291: {  	vm0 =	vgt.f32 v28, v37;
	v33 =	vmul.f32 v32, v2;
	[tilespmem:s21+$0xFFFFFFB0] =	vst v42;
	v42 =	vmul.f32 v39, v0  }
.Ltmp5:
0x292: {  	v38 =	vnsel vm1, $0x0, v38;
	v37 =	vnsel vm0, $0x0, v43;
	v43 =	vmul.f32 v40, v1;
	(pc) =	sbr.rel @p0 .LBB2_8-.Ltmp5, $4  }
0x293: {  	v41 =	vadd.f32 v38, v25;
	vm1 =	vgt.f32 v34, v33;
	vm2 =	vgt.f32 v40, v42  }
0x294: {  	v25 =	vnsel vm2, $0x0, v40;
	v42 =	vnsel vm2, $0x0, v39;
	v44 =	vmul.f32 v36, v1  }
0x295: {  	v40 =	vmul.f32 v30, v0;
	v33 =	vmul.f32 v24, v1;
	v38 =	vadd.f32 v25, v27  }
0x296: {  	s26 =	sadd.s32 $0x100, s26;
	v27 =	vmin.f32 v39, v43;
	v39 =	vadd.f32 v42, v26;
	v26 =	vmin.f32 v30, v44  }
0x297: {  	v2 =	vnsel vm1, $0x0, v34;
	vm2 =	vgt.f32 v14, v23;
	v3 =	vadd.f32 v21, v10  }
0x298: {  	v63 =	vadd.f32 v35, v41;
	v2 =	vadd.f32 v2, v4;
	v4 =	vnsel vm2, $0x0, v14  }
0x299: {  	v6 =	vadd.f32 v31, v6;
	v3 =	vadd.f32 v4, v3  }
0x29a: {  	v21 =	vadd.f32 v18, v12;
	v4 =	vadd.f32 v22, v9  }
0x29b: {  	v22 =	vnsel vm2, $0x0, v15;
	v6 =	vadd.f32 v29, v6;
	v3 =	vadd.f32 v3, v20  }
0x29c: {  	v23 =	vnsel vm0, $0x0, v28;
	v8 =	vadd.f32 v8, v21;
	v4 =	vadd.f32 v22, v4  }
0x29d: {  	v25 =	vnsel vm1, $0x0, v32;
	v2 =	vadd.f32 v23, v2;
	v3 =	vadd.f32 v6, v3  }
0x29e: {  	v6 =	vadd.f32 v25, v16;
	v4 =	vadd.f32 v4, v8  }
0x29f: {  	v2 =	vadd.f32 v2, v3  }
0x2a0: {  	v3 =	vadd.f32 v37, v6;
	v4 =	vadd.f32 v63, v4  }
0x2a1: {  	v28 =	vld [tilespmem:s22+$0x0];
	(xrf2) =	vadd.scan.msk.f32 $0xffff, v2  }
0x2a2: {  	v3 =	vadd.f32 v3, v4  }
0x2a3: {  	v8 =	vld [tilespmem:s24+$0x0]  }
0x2a4: {  	(xrf2) =	vadd.scan.msk.f32 $0xffff, v3;
	_ =	sdelay $0x1  }
0x2a5: {  	v6 =	vmul.f32 v28, v1;
	v2 =	vld [tilespmem:s24+$0x40];
	_ =	sdelay $0x1  }
0x2a6: {  	v4 =	vmin.f32 v8, v6  }
0x2a7: {  	[tilespmem:s21+$0x0] =	vst v4  }
0x2a8: {  	v3 =	vld [tilespmem:s22+$0x10]  }
0x2a9: {  	v4 =	vmin.f32 v2, v33;
	v29, _, _ =	vpop (xrf2)  }
0x2aa: {  	v6 =	vld [tilespmem:s24+$0x10];
	[tilespmem:s21+$0x40] =	vst v4;
	(v2sf) =	vpush v29, $0xF  }
0x2ab: {  	v4 =	vld [tilespmem:s22+$0x50]  }
0x2ac: {  	v35, _, _ =	vpop (xrf2)  }
0x2ad: {  	v31 =	vld [tilespmem:s24+$0x50];
	v32 =	vmul.f32 v3, v1;
	(v2sf) =	vpush v35, $0xF;
	_ =	sdelay $0x1  }
0x2ae: {  	v33 =	vmin.f32 v6, v32  }
0x2af: {  	[tilespmem:s21+$0x10] =	vst v33;
	v34 =	vmul.f32 v4, v1  }
0x2b0: {  	vm7 =	vgt.f32 v36, v40;
	v41 =	vmul.f32 v8, v0;
	v37 =	vld [tilespmem:s22+$0x20]  }
0x2b1: {  	v42 =	vnsel vm7, $0x0, v36;
	v43 =	vnsel vm7, $0x0, v30;
	v14 =	vmin.f32 v31, v34  }
0x2b2: {  	v46 =	vadd.f32 v43, v39;
	vm8 =	vgt.f32 v28, v41;
	v44 =	vmul.f32 v2, v0;
	v45 =	vld [tilespmem:s24+$0x20];
	[tilespmem:s21+$0x50] =	vst v14  }
0x2b3: {  	v12 =	vnsel vm8, $0x0, v28;
	v8 =	vnsel vm8, $0x0, v8;
	v48 =	vmul.f32 v6, v0;
	v47 =	vld [tilespmem:s22+$0x60]  }
0x2b4: {  	v5 =	vadd.f32 v12, v5;
	v7 =	vadd.f32 v8, v7;
	vm9 =	vgt.f32 v24, v44  }
0x2b5: {  	v8 =	vnsel vm9, $0x0, v24;
	vm10 =	vgt.f32 v3, v48;
	v49 =	vld [tilespmem:s24+$0x60];
	v50 =	vmul.f32 v37, v1  }
0x2b6: {  	v51 =	vnsel vm9, $0x0, v2;
	v2 =	vadd.f32 v8, v5;
	v12 =	vnsel vm10, $0x0, v3  }
0x2b7: {  	v3 =	vadd.f32 v51, v7;
	v8 =	vmul.f32 v31, v0;
	v5 =	vmin.f32 v45, v50  }
0x2b8: {  	v6 =	vnsel vm10, $0x0, v6;
	v7 =	vmul.f32 v45, v0;
	[tilespmem:s21+$0x20] =	vst v5;
	v52 =	vmul.f32 v47, v1;
	s23 =	spop (v2sf)  }
0x2b9: {  	v16 =	vadd.f32 v42, v38;
	v6 =	vadd.f32 v6, v11;
	v53 =	vld [tilespmem:s24+$0x30];
	p0 =	slt.f32 s23, s19;
	p1 =	sgt.f32 s23, s19  }
0x2ba: {  	vm11 =	vgt.f32 v4, v8;
	vm12 =	vgt.f32 v37, v7;
	v54 =	vld [tilespmem:s22+$0x30];
	v8 =	vmin.f32 v49, v52  }
0x2bb: {  	v5 =	vadd.f32 v12, v13;
	v56 =	vnsel vm12, $0x0, v37;
	v55 =	vmul.f32 v49, v0;
	[tilespmem:s21+$0x60] =	vst v8;
	s19 =	spop (v2sf);
	p0 =	por p1, p0  }
0x2bc: {  	v4 =	vnsel vm11, $0x0, v4;
	v7 =	vnsel vm11, $0x0, v31;
	v13 =	vadd.f32 v56, v19;
	v8 =	vld [tilespmem:s24+$0x70];
	p1 =	slt.f32 @!p0 s19, s18;
	p2 =	sgt.f32 @!p0 s19, s18  }
0x2bd: {  	v4 =	vadd.f32 v4, v5;
	v5 =	vnsel vm12, $0x0, v45;
	vm13 =	vgt.f32 v47, v55;
	v57 =	vld [tilespmem:s22+$0x70]  }
0x2be: {  	v58 =	vadd.f32 v5, v17;
	v5 =	vadd.f32 v7, v6;
	v6 =	vnsel vm13, $0x0, v47;
	p1 =	por @!p0 p2, p1  }
0x2bf: {  	v60 =	vnsel vm13, $0x0, v49;
	v59 =	vmul.f32 v53, v0;
	v61 =	vmul.f32 v54, v1;
	p1 =	por @!p0 !p1, !p1  }
0x2c0: {  	v7 =	vadd.f32 v6, v13;
	v6 =	vadd.f32 v60, v58;
	p1 =	por p0, !p1  }
.Ltmp6:
0x2c1: {  	vm14 =	vgt.f32 v54, v59;
	v9 =	vmin.f32 v53, v61;
	v0 =	vmul.f32 v8, v0;
	(pc) =	sbr.rel @!p1 .LBB2_14-.Ltmp6, $4  }
0x2c2: {  	[tilespmem:s20+$0x30] =	vst v27;
	v62 =	vnsel vm14, $0x0, v54;
	v63 =	vnsel vm14, $0x0, v53;
	v1 =	vmul.f32 v57, v1  }
0x2c3: {  	[tilespmem:s20+$0x70] =	vst v26;
	v10 =	vadd.f32 v62, v16;
	v11 =	vadd.f32 v63, v46;
	vm15 =	vgt.f32 v57, v0  }
0x2c4: {  	[tilespmem:s21+$0x30] =	vst v9;
	v0 =	vmin.f32 v8, v1;
	v1 =	vnsel vm15, $0x0, v57;
	v8 =	vnsel vm15, $0x0, v8  }
0x2c5: {  	[tilespmem:s21+$0x70] =	vst v0;
	v0 =	vadd.f32 v8, v11;
	v1 =	vadd.f32 v1, v10  }
0x2c6: {  	s18 =	simm.s32 $0x0  }
0x2c7: {  	s19 =	smov.u32 @p0 s19;
	s23 =	smov.u32 @p0 s23;
	s18 =	simm.s32 @p0 $0x0  }
.LBB2_11:
0x2c8: {  	s20 =	ssub.f32 $1.000000000e+00, s19;
	_ =	sdelay $0x1  }
0x2c9: {  	s20 =	smax.f32 s20, $1.000000000e-30  }
0x2ca: {  	v8 =	vmov s20  }
0x2cb: {  	(erf) = vrcp.f32 v8;
	_ =	sdelay $0x6  }
0x2cc: {  	s29 =	ssub.f32 s17, s23;
	_ =	sdelay $0x1  }
0x2cd: {  	s20 =	smax.f32 s29, $0.0e+00;
	v8 =	vpop (erf)  }
0x2ce: {  	v11 =	vmul.f32 s20, v8;
	_ =	sdelay $0x1  }
0x2cf: {  	v8 =	vmax.f32 v11, $1.000000000e-30  }
0x2d0: {  	s30 =	simm.s32 $0x0;
	(erf) = vrcp.f32 v8  }
0x2d1: {  	s21 =	sand.u32 $0x70, s30;
	s20 =	sand.u32 $0x1F00, s30  }
0x2d2: {  	s20 =	sor.u32 s21, s20  }
0x2d3: {  	v9 =	vld [tilespmem:s20+$0x2000];
	_ =	sdelay $0x1  }
0x2d4: {  	v15 =	vld [tilespmem:s20+$0x4000]  }
0x2d5: {  	s31 =	simm.s32 $0x10;
	s22 =	simm.s32 $0x20  }
0x2d6: {  	s24 =	sand.u32 $0x1F00, s22;
	s21 =	sand.u32 $0x70, s31  }
0x2d7: {  	s21 =	sor.u32 s21, s24;
	v12 =	vmul.f32 v9, v11  }
0x2d8: {  	v10 =	vld [tilespmem:s21+$0x2000];
	v8 =	vpop (erf)  }
0x2d9: {  	v14 =	vimm.f32 $0.0e+00;
	vm0 =	vgt.f32 v15, v12;
	v13 =	vmul.f32 v15, v8  }
0x2da: {  	s24 =	simm.s32 $0x20;
	v12 =	vld [tilespmem:s21+$0x4000];
	v17 =	vnsel vm0, $0x0, v15;
	v16 =	vnsel vm0, $0x0, v9;
	v15 =	vimm.f32 $0.0e+00  }
.LBB2_12:
0x2db: {  	s25 =	sand.u32 $0x70, s24;
	s22 =	sadd.s32 $0x20, s22;
	v18 =	vmin.f32 v9, v13;
	v14 =	vadd.f32 v17, v14;
	v15 =	vadd.f32 v16, v15;
	p0 =	sne.s32 s24, $0xFF0  }
.Ltmp7:
0x2dc: {  	s24 =	sadd.s32 $0x10, s24;
	s26 =	sand.u32 $0x1F00, s22;
	[tilespmem:s20+$0x6000] =	vst v18;
	(pc) =	sbr.rel @p0 .LBB2_12-.Ltmp7, $4  }
0x2dd: {  	s20 =	smov.u32 s21;
	v13 =	vmul.f32 v10, v11;
	v9 =	vmov v10;
	s21 =	sor.u32 s25, s26  }
0x2de: {  	v10 =	vld [tilespmem:s21+$0x2000]  }
0x2df: {  	vm0 =	vgt.f32 v12, v13;
	v13 =	vmul.f32 v12, v8  }
0x2e0: {  	v17 =	vnsel vm0, $0x0, v12;
	v12 =	vld [tilespmem:s21+$0x4000];
	v16 =	vnsel vm0, $0x0, v9  }
0x2e1: {  	_ =	sdelay $0x1  }
0x2e2: {  	v11 =	vmul.f32 v10, v11;
	_ =	sdelay $0x1  }
0x2e3: {  	v14 =	vadd.f32 v17, v14;
	vm0 =	vgt.f32 v12, v11  }
0x2e4: {  	v11 =	vnsel vm0, $0x0, v12  }
0x2e5: {  	v15 =	vadd.f32 v16, v15;
	v11 =	vadd.f32 v11, v14  }
0x2e6: {  	v62 =	vnsel vm0, $0x0, v10  }
0x2e7: {  	v14 =	vadd.f32 v62, v15;
	(xrf2) =	vadd.scan.msk.f32 $0xffff, v11;
	_ =	sdelay $0x1  }
0x2e8: {  	(xrf2) =	vadd.scan.msk.f32 $0xffff, v14;
	_ =	sdelay $0x7  }
0x2e9: {  	v11, _, _ =	vpop (xrf2)  }
0x2ea: {  	(v2sf) =	vpush v11, $0xF  }
0x2eb: {  	v63, _, _ =	vpop (xrf2)  }
0x2ec: {  	(v2sf) =	vpush v63, $0xF;
	_ =	sdelay $0xc  }
0x2ed: {  	s22 =	spop (v2sf)  }
0x2ee: {  	p0 =	slt.f32 s22, s23  }
0x2ef: {  	p1 =	sgt.f32 s22, s23;
	s31 =	spop (v2sf)  }
0x2f0: {  	p2 =	slt.f32 s31, s19;
	p3 =	sgt.f32 s31, s19  }
0x2f1: {  	_ = 	snop  }
0x2f2: {  	p0 =	por p1, p0;
	p5 =	por p3, p2  }
0x2f3: {  	p6 =	sgt.u32 s18, $0x3E;
	p0 =	por p0, p5  }
0x2f4: {  	p0 =	por p6, !p0  }
.Ltmp8:
0x2f5: {  	_ = 	snop;
	(pc) =	sbr.rel @!p0 .LBB2_11-.Ltmp8, $4  }
0x2f6: {  	v8 =	vmul.f32 v12, v8  }
0x2f7: {  	v9 =	vmin.f32 v9, v13  }
0x2f8: {  	[tilespmem:s20+$0x6000] =	vst v9;
	v8 =	vmin.f32 v10, v8  }
0x2f9: {  	s18 =	sadd.s32 $0x1, s18;
	[tilespmem:s21+$0x6000] =	vst v8;
	s23 =	smov.u32 s22;
	s19 =	smov.u32 s31  }
.LBB2_14:
0x2fa: {  	v2 =	vadd.f32 v4, v2;
	_ =	sdelay $0x1  }
0x2fb: {  	v2 =	vadd.f32 v7, v2  }
0x2fc: {  	v3 =	vadd.f32 v5, v3  }
0x2fd: {  	v1 =	vadd.f32 v1, v2  }
0x2fe: {  	v61 =	vadd.f32 v6, v3  }
0x2ff: {  	(xrf2) =	vadd.scan.msk.f32 $0xffff, v1  }
0x300: {  	v0 =	vadd.f32 v0, v61;
	_ =	sdelay $0x1  }
0x301: {  	(xrf2) =	vadd.scan.msk.f32 $0xffff, v0;
	_ =	sdelay $0x6  }
0x302: {  	v62, _, _ =	vpop (xrf2)  }
0x303: {  	(v2sf) =	vpush v62, $0xF;
	_ =	sdelay $0x1  }
0x304: {  	v63, _, _ =	vpop (xrf2)  }
0x305: {  	(v2sf) =	vpush v63, $0xF;
	_ =	sdelay $0xb  }
0x306: {  	s18 =	spop (v2sf)  }
0x307: {  	p0 =	slt.f32 s18, s15;
	p1 =	sgt.f32 s18, s15  }
0x308: {  	_ = 	snop  }
0x309: {  	s17 =	spop (v2sf);
	p0 =	por p1, p0  }
0x30a: {  	p1 =	slt.f32 @!p0 s17, s16;
	p2 =	sgt.f32 @!p0 s17, s16  }
0x30b: {  	_ = 	snop  }
0x30c: {  	p1 =	por @!p0 p2, p1  }
0x30d: {  	p1 =	por @!p0 !p1, !p1  }
0x30e: {  	p1 =	por p0, !p1  }
.Ltmp9:
0x30f: {  	_ = 	snop;
	(pc) =	sbr.rel @!p1 .LBB2_19-.Ltmp9, $1  }
0x310: {  	_ =	sdelay $0x3  }
0x311: {  	s15 =	simm.s32 $0x0  }
0x312: {  	s17 =	smov.u32 @p0 s17;
	s18 =	smov.u32 @p0 s18;
	s15 =	simm.s32 @p0 $0x0  }
.LBB2_16:
0x313: {  	s16 =	ssub.f32 $1.000000000e+00, s17;
	_ =	sdelay $0x1  }
0x314: {  	s16 =	smax.f32 s16, $1.000000000e-30  }
0x315: {  	v0 =	vmov s16  }
0x316: {  	(erf) = vrcp.f32 v0;
	_ =	sdelay $0x6  }
0x317: {  	s29 =	ssub.f32 s14, s18;
	_ =	sdelay $0x1  }
0x318: {  	s16 =	smax.f32 s29, $0.0e+00;
	v0 =	vpop (erf)  }
0x319: {  	v3 =	vmul.f32 s16, v0;
	_ =	sdelay $0x1  }
0x31a: {  	v0 =	vmax.f32 v3, $1.000000000e-30  }
0x31b: {  	s30 =	simm.s32 $0x0;
	(erf) = vrcp.f32 v0  }
0x31c: {  	s19 =	sand.u32 $0x70, s30;
	s16 =	sand.u32 $0x1F00, s30  }
0x31d: {  	s16 =	sor.u32 s16, s19  }
0x31e: {  	v1 =	vld [tilespmem:s16+$0x2080];
	_ =	sdelay $0x1  }
0x31f: {  	v7 =	vld [tilespmem:s16+$0x4080]  }
0x320: {  	s31 =	simm.s32 $0x10;
	s20 =	simm.s32 $0x20  }
0x321: {  	s21 =	sand.u32 $0x1F00, s20;
	s19 =	sand.u32 $0x70, s31  }
0x322: {  	s19 =	sor.u32 s21, s19;
	v4 =	vmul.f32 v1, v3  }
0x323: {  	v2 =	vld [tilespmem:s19+$0x2080];
	v0 =	vpop (erf)  }
0x324: {  	v6 =	vimm.f32 $0.0e+00;
	vm0 =	vgt.f32 v7, v4;
	v5 =	vmul.f32 v7, v0  }
0x325: {  	s21 =	simm.s32 $0x20;
	v4 =	vld [tilespmem:s19+$0x4080];
	v9 =	vnsel vm0, $0x0, v7;
	v8 =	vnsel vm0, $0x0, v1;
	v7 =	vimm.f32 $0.0e+00  }
.LBB2_17:
0x326: {  	s22 =	sand.u32 $0x70, s21;
	s20 =	sadd.s32 $0x20, s20;
	v10 =	vmin.f32 v1, v5;
	v6 =	vadd.f32 v9, v6;
	v7 =	vadd.f32 v8, v7;
	p0 =	sne.s32 s21, $0xFF0  }
.Ltmp10:
0x327: {  	s21 =	sadd.s32 $0x10, s21;
	s23 =	sand.u32 $0x1F00, s20;
	[tilespmem:s16+$0x6080] =	vst v10;
	(pc) =	sbr.rel @p0 .LBB2_17-.Ltmp10, $4  }
0x328: {  	s16 =	smov.u32 s19;
	v5 =	vmul.f32 v2, v3;
	v1 =	vmov v2;
	s19 =	sor.u32 s23, s22  }
0x329: {  	v2 =	vld [tilespmem:s19+$0x2080]  }
0x32a: {  	vm0 =	vgt.f32 v4, v5;
	v5 =	vmul.f32 v4, v0  }
0x32b: {  	v9 =	vnsel vm0, $0x0, v4;
	v4 =	vld [tilespmem:s19+$0x4080];
	v8 =	vnsel vm0, $0x0, v1  }
0x32c: {  	_ =	sdelay $0x1  }
0x32d: {  	v3 =	vmul.f32 v2, v3;
	_ =	sdelay $0x1  }
0x32e: {  	v6 =	vadd.f32 v9, v6;
	vm0 =	vgt.f32 v4, v3  }
0x32f: {  	v3 =	vnsel vm0, $0x0, v4  }
0x330: {  	v7 =	vadd.f32 v8, v7;
	v3 =	vadd.f32 v3, v6  }
0x331: {  	v62 =	vnsel vm0, $0x0, v2  }
0x332: {  	v6 =	vadd.f32 v62, v7;
	(xrf2) =	vadd.scan.msk.f32 $0xffff, v3;
	_ =	sdelay $0x1  }
0x333: {  	(xrf2) =	vadd.scan.msk.f32 $0xffff, v6;
	_ =	sdelay $0x7  }
0x334: {  	v3, _, _ =	vpop (xrf2)  }
0x335: {  	(v2sf) =	vpush v3, $0xF  }
0x336: {  	v63, _, _ =	vpop (xrf2)  }
0x337: {  	(v2sf) =	vpush v63, $0xF;
	_ =	sdelay $0xc  }
0x338: {  	s20 =	spop (v2sf)  }
0x339: {  	p0 =	slt.f32 s20, s18  }
0x33a: {  	p1 =	sgt.f32 s20, s18;
	s31 =	spop (v2sf)  }
0x33b: {  	p2 =	slt.f32 s31, s17;
	p3 =	sgt.f32 s31, s17  }
0x33c: {  	_ = 	snop  }
0x33d: {  	p0 =	por p1, p0;
	p5 =	por p3, p2  }
0x33e: {  	p6 =	sgt.u32 s15, $0x3E;
	p0 =	por p0, p5  }
0x33f: {  	p0 =	por p6, !p0  }
.Ltmp11:
0x340: {  	_ = 	snop;
	(pc) =	sbr.rel @!p0 .LBB2_16-.Ltmp11, $4  }
.Ltmp12:
0x341: {  	v0 =	vmul.f32 v4, v0;
	(pc) =	sbr.rel @p0 .LBB2_19-.Ltmp12, $4  }
0x342: {  	v1 =	vmin.f32 v1, v5  }
0x343: {  	[tilespmem:s16+$0x6080] =	vst v1;
	v0 =	vmin.f32 v2, v0  }
0x344: {  	s15 =	sadd.s32 $0x1, s15;
	[tilespmem:s19+$0x6080] =	vst v0;
	s18 =	smov.u32 s20;
	s17 =	smov.u32 s31  }
0x345: {  	_ = 	snop  }
.LBB2_20:
0x346: {  	_ =	sfence.sel $0x180000  }
0x347: {  	[bflag:$0x0] =	sbarrier.arrive $0xFFFF  }
0x348: {  	p0 =	sne.s32 s1, $0x0;
	_ =	strace $0x90000047  }
0x349: {  	s0 =	sadd.s32 @!p0 $0x100000, s0;
	[bflag:$0x2] =	sbarrier.arrive $0xFFFF  }
0x34a: {  	[sflag:s0] =	ssyncadd.tile.s32 @!p0 $0x1;
	_ =	shalt  }
.Lfunc_end2:
_tile_overlayer_lowered:
.L_overlay_start_2:
0x34b: {  	(tag) =	ssettag $0x2  }
0x34c: {  	s0 =	rddreg [dreg:$0x0];
	s2 =	stileid.u32  }
0x34d: {  	s1 =	rddreg [dreg:$0x1];
	p0 =	sne.s32 s2, $0x0  }
0x34e: {  	s3 =	rddreg [dreg:$0x2];
	[bflag:$0x3] =	sbarrier.arrive $0xFFFF;
	s2 =	simm.s32 @!p0 $0x1C02  }
0x34f: {  	[timem:s3], [sflag:s2] =	dma.local @!p0 [hbm:s0], s1  }
0x350: {  	s0 =	simm.s32 @!p0 $0x2  }
0x351: {  	_ =	swait.ge @!p0 [sflag:s0], s1  }
0x352: {  	s1 =	ssub.s32 @!p0 $0x0, s1;
	[sflag:s0] =	ssyncset.done @!p0 $0x0  }
0x353: {  	[sflag:s0] =	ssyncadd.s32 @!p0 s1  }
0x354: {  	[bflag:$0x3] =	sbarrier.arrive $0xFFFF  }
0x355: {  	_ =	shalt  }

</sc_bundles>
